<compile_context>
chip_gen: v7x
topology: tpu7x:2x2x1
jax: 0.10.2.dev20260603
libtpu: 0.0.44.dev20260713+nightly
codegen_flags: <defaults>
</compile_context>

<pallas_src>
import functools

import jax
import jax.numpy as jnp
from jax import lax
from jax.experimental import pallas as pl
from jax.experimental.pallas import tpu as pltpu
from jax.experimental.pallas import tpu_sc as plsc

_LANES = 16
_WAVE = 16


@functools.cache
def _make_gather(V, D, B):
    info = plsc.get_sparse_core_info()
    NC, NS = info.num_cores, info.num_subcores
    NW = NC * NS
    assert B % (_LANES * NW) == 0, (V, D, B, NW)
    b_per_w = B // NW
    n_waves = b_per_w // _WAVE
    mesh = plsc.VectorSubcoreMesh(core_axis_name="c", subcore_axis_name="s")

    @functools.partial(
        pl.kernel,
        mesh=mesh,
        compiler_params=pltpu.CompilerParams(
            use_tc_tiling_on_sc=True, needs_layout_passes=False
        ),
        out_type=jax.ShapeDtypeStruct((D, B), jnp.float32),
        scratch_types=[
            pltpu.VMEM((b_per_w,), jnp.int32),
            pltpu.VMEM((D, _WAVE * 128), jnp.float32),
            pltpu.VMEM((D, b_per_w), jnp.float32),
            pltpu.SemaphoreType.DMA,
        ],
    )
    def gather_kernel(table_hbm, idx_hbm, out_hbm, idx_v, ring_v, cols_v, sem):
        wid = lax.axis_index("s") * NC + lax.axis_index("c")
        base = wid * b_per_w
        pltpu.sync_copy(idx_hbm.at[pl.ds(base, b_per_w)], idx_v)

        def wave(g):
            v = idx_v[pl.ds(g * _WAVE, _WAVE)]
            for j in range(_WAVE):
                tcol = pl.multiple_of((v[j] >> 7) << 7, 128)
                pltpu.async_copy(
                    table_hbm.at[:, pl.ds(tcol, 128)],
                    ring_v.at[:, pl.ds(j * 128, 128)],
                    sem,
                )
            pltpu.make_async_copy(
                table_hbm.at[:, pl.ds(0, _WAVE * 128)], ring_v, sem
            ).wait()
            lane = v & 127
            slot_base = lax.iota(jnp.int32, _LANES) * 128
            src_col = slot_base + lane
            dst_col = g * _WAVE + lax.iota(jnp.int32, _LANES)
            for j in range(D):
                row = jnp.full((_LANES,), j, jnp.int32)
                vals = plsc.load_gather(ring_v, [row, src_col])
                plsc.store_scatter(cols_v, [row, dst_col], vals)

        pl.loop(0, n_waves)(wave)
        pltpu.sync_copy(cols_v, out_hbm.at[:, pl.ds(base, b_per_w)])

    return gather_kernel


def kernel(graph, feat, nodes, emb):
    V, D = emb.shape
    (B,) = nodes.shape
    out_t = _make_gather(V, D, B)(emb.T, nodes)
    return out_t.T

# --- scband reference (transcript-rebuilt; emitter-appended) ---
"""Pipeline reference for scband-node2vec-81252191306019 (READ-ONLY COPY).

The authoritative reference and input builder live on the scoring server;
editing this copy changes nothing except your own understanding.
"""

import jax, jax.numpy as jnp
import numpy as np

N_NODES = 1000000
EMBED_DIM = 32
BATCH = 16384


def setup_inputs(seed: int = 0) -> dict:
    key = jax.random.key(seed)
    k1, k2, k3 = jax.random.split(key, 3)
    # graph and feat are unused by Node2vec.forward (it only reads the
    # embedding table); graph is a scalar placeholder for the DGLGraph handle.
    graph = 0
    feat = jax.random.normal(k1, (BATCH, EMBED_DIM), dtype=jnp.float32)
    nodes = jax.random.randint(k2, (BATCH,), 0, N_NODES, dtype=jnp.int32)
    # learned parameter: nn.Embedding(N, embedding_dim).weight ~ N(0, 1)
    emb = jax.random.normal(k3, (N_NODES, EMBED_DIM), dtype=jnp.float32)
    return {"graph": graph, "feat": feat, "nodes": nodes, "emb": emb}


def reference(graph, feat, nodes, emb):
    # Node2vec.forward: emb = self.embedding.weight; return emb[nodes]
    return jnp.take(emb, nodes, axis=0)

if __name__ == "__main__":
    import jax
    _d = setup_inputs()
    print(jax.jit(kernel)(*tuple(_d.values())))

</pallas_src>

<mosaic_0001>
#map = affine_map<(d0, d1) -> (0, 0)>
#map1 = affine_map<(d0, d1) -> (0)>
module attributes {stable_mosaic.version = 14 : i64} {
  func.func @gather_kernel(%arg0: i32, %arg1: i32, %arg2: memref<32x1000000xf32, #tpu.memory_space<hbm>>, %arg3: memref<16384xi32, #tpu.memory_space<hbm>>, %arg4: memref<32x16384xf32, #tpu.memory_space<hbm>>, %arg5: memref<512xi32, #tpu.memory_space<vmem>>, %arg6: memref<32x2048xf32, #tpu.memory_space<vmem>>, %arg7: memref<32x512xf32, #tpu.memory_space<vmem>>, %arg8: memref<!tpu.dma_semaphore, #tpu.memory_space<semaphore_mem>>) attributes {dimension_semantics = [#tpu.dimension_semantics<core_parallel>, #tpu.dimension_semantics<subcore_parallel>], iteration_bounds = array<i64: 2, 16>, scalar_prefetch = 0 : i64, scratch_operands = 4 : i64, tpu.core_type = #tpu.core_type<sc_vector_subcore>, window_params = [{transform_indices = #map}, {transform_indices = #map1}, {transform_indices = #map}]} {
    %mul3A = arith.constant 2 : i32
    %mul3A_0 = arith.muli %arg1, %mul3A : i32
    %add3A = arith.addi %mul3A_0, %arg0 : i32
    %mul3A_1 = arith.constant 512 : i32
    %mul3A_2 = arith.muli %add3A, %mul3A_1 : i32
    "tpu.region"() ({
      %run_scoped3A = tpu.sem_alloc : memref<!tpu.dma_semaphore, #tpu.memory_space<semaphore_mem>>
      %dma_start3A = tpu.memref_slice %arg3[%mul3A_2] : memref<16384xi32, #tpu.memory_space<hbm>> -> memref<512xi32, #tpu.memory_space<hbm>>
      %dma_start3A_7 = tpu.memref_slice %arg3[%mul3A_2] : memref<16384xi32, #tpu.memory_space<hbm>> -> memref<512xi32, #tpu.memory_space<hbm>>
      tpu.enqueue_dma source(%dma_start3A_7 : memref<512xi32, #tpu.memory_space<hbm>>) target(%arg5 : memref<512xi32, #tpu.memory_space<vmem>>) target_semaphore(%run_scoped3A : memref<!tpu.dma_semaphore, #tpu.memory_space<semaphore_mem>>)
      %dma_wait3A = tpu.memref_slice %arg3[%mul3A_2] : memref<16384xi32, #tpu.memory_space<hbm>> -> memref<512xi32, #tpu.memory_space<hbm>>
      %dma_wait3A_8 = tpu.memref_slice %arg3[%mul3A_2] : memref<16384xi32, #tpu.memory_space<hbm>> -> memref<512xi32, #tpu.memory_space<hbm>>
      tpu.wait_dma2 semaphore(%run_scoped3A : memref<!tpu.dma_semaphore, #tpu.memory_space<semaphore_mem>>) src(%dma_wait3A_8 : memref<512xi32, #tpu.memory_space<hbm>>) dst(%arg5 : memref<512xi32, #tpu.memory_space<vmem>>)
      tpu.yield
    }) : () -> ()
    %scan3A = arith.constant 0 : i32
    %scan3A_3 = arith.constant 32 : i32
    %scan3A_4 = arith.addi %scan3A, %scan3A_3 : i32
    %scan3A_5 = arith.constant 1 : i32
    scf.for %scan3A_7 = %scan3A to %scan3A_4 step %scan3A_5  : i32 {
      %mul3A_8 = arith.constant 1 : i32
      %mul3A_9 = arith.muli %scan3A_7, %mul3A_8 : i32
      %add3A_10 = arith.constant 0 : i32
      %add3A_11 = arith.addi %add3A_10, %mul3A_9 : i32
      %mul3A_12 = arith.constant 16 : i32
      %mul3A_13 = arith.muli %add3A_11, %mul3A_12 : i32
      %get3A = arith.index_cast %mul3A_13 : i32 to index
      %get3A_14 = tpu.vector_load %arg5[%get3A] {strides = array<i32>} : memref<512xi32, #tpu.memory_space<vmem>>, vector<16xi32>,
      %slice3A = vector.extract_strided_slice %get3A_14 {offsets = [0], sizes = [1], strides = [1]} : vector<16xi32> to vector<1xi32>
      %squeeze3A = vector.extract %slice3A[0] : i32 from vector<1xi32>
      %shift_right_arithmetic3A = arith.constant 7 : i32
      %shift_right_arithmetic3A_15 = arith.shrsi %squeeze3A, %shift_right_arithmetic3A : i32
      %shift_left3A = arith.constant 7 : i32
      %shift_left3A_16 = arith.shli %shift_right_arithmetic3A_15, %shift_left3A : i32
      %multiple_of3A = tpu.assume_multiple %shift_left3A_16, 128 : i32
      %dma_start3A = arith.constant 0 : i32
      %dma_start3A_17 = arith.constant 0 : i32
      %dma_start3A_18 = tpu.memref_slice %arg6[%dma_start3A, %dma_start3A_17] : memref<32x2048xf32, #tpu.memory_space<vmem>> -> memref<32x128xf32, #tpu.memory_space<vmem>>
      %dma_start3A_19 = arith.constant 0 : i32
      %dma_start3A_20 = tpu.memref_slice %arg2[%dma_start3A_19, %multiple_of3A] : memref<32x1000000xf32, #tpu.memory_space<hbm>> -> memref<32x128xf32, #tpu.memory_space<hbm>>
      %dma_start3A_21 = arith.constant 0 : i32
      %dma_start3A_22 = arith.constant 0 : i32
      %dma_start3A_23 = tpu.memref_slice %arg6[%dma_start3A_21, %dma_start3A_22] : memref<32x2048xf32, #tpu.memory_space<vmem>> -> memref<32x128xf32, #tpu.memory_space<vmem>>
      %dma_start3A_24 = arith.constant 0 : i32
      %dma_start3A_25 = tpu.memref_slice %arg2[%dma_start3A_24, %multiple_of3A] : memref<32x1000000xf32, #tpu.memory_space<hbm>> -> memref<32x128xf32, #tpu.memory_space<hbm>>
      tpu.enqueue_dma source(%dma_start3A_25 : memref<32x128xf32, #tpu.memory_space<hbm>>) target(%dma_start3A_23 : memref<32x128xf32, #tpu.memory_space<vmem>>) target_semaphore(%arg8 : memref<!tpu.dma_semaphore, #tpu.memory_space<semaphore_mem>>)
      %slice3A_26 = vector.extract_strided_slice %get3A_14 {offsets = [1], sizes = [1], strides = [1]} : vector<16xi32> to vector<1xi32>
      %squeeze3A_27 = vector.extract %slice3A_26[0] : i32 from vector<1xi32>
      %shift_right_arithmetic3A_28 = arith.constant 7 : i32
      %shift_right_arithmetic3A_29 = arith.shrsi %squeeze3A_27, %shift_right_arithmetic3A_28 : i32
      %shift_left3A_30 = arith.constant 7 : i32
      %shift_left3A_31 = arith.shli %shift_right_arithmetic3A_29, %shift_left3A_30 : i32
      %multiple_of3A_32 = tpu.assume_multiple %shift_left3A_31, 128 : i32
      %dma_start3A_33 = arith.constant 0 : i32
      %dma_start3A_34 = arith.constant 128 : i32
      %dma_start3A_35 = tpu.memref_slice %arg6[%dma_start3A_33, %dma_start3A_34] : memref<32x2048xf32, #tpu.memory_space<vmem>> -> memref<32x128xf32, #tpu.memory_space<vmem>>
      %dma_start3A_36 = arith.constant 0 : i32
      %dma_start3A_37 = tpu.memref_slice %arg2[%dma_start3A_36, %multiple_of3A_32] : memref<32x1000000xf32, #tpu.memory_space<hbm>> -> memref<32x128xf32, #tpu.memory_space<hbm>>
      %dma_start3A_38 = arith.constant 0 : i32
      %dma_start3A_39 = arith.constant 128 : i32
      %dma_start3A_40 = tpu.memref_slice %arg6[%dma_start3A_38, %dma_start3A_39] : memref<32x2048xf32, #tpu.memory_space<vmem>> -> memref<32x128xf32, #tpu.memory_space<vmem>>
      %dma_start3A_41 = arith.constant 0 : i32
      %dma_start3A_42 = tpu.memref_slice %arg2[%dma_start3A_41, %multiple_of3A_32] : memref<32x1000000xf32, #tpu.memory_space<hbm>> -> memref<32x128xf32, #tpu.memory_space<hbm>>
      tpu.enqueue_dma source(%dma_start3A_42 : memref<32x128xf32, #tpu.memory_space<hbm>>) target(%dma_start3A_40 : memref<32x128xf32, #tpu.memory_space<vmem>>) target_semaphore(%arg8 : memref<!tpu.dma_semaphore, #tpu.memory_space<semaphore_mem>>)
      %slice3A_43 = vector.extract_strided_slice %get3A_14 {offsets = [2], sizes = [1], strides = [1]} : vector<16xi32> to vector<1xi32>
      %squeeze3A_44 = vector.extract %slice3A_43[0] : i32 from vector<1xi32>
      %shift_right_arithmetic3A_45 = arith.constant 7 : i32
      %shift_right_arithmetic3A_46 = arith.shrsi %squeeze3A_44, %shift_right_arithmetic3A_45 : i32
      %shift_left3A_47 = arith.constant 7 : i32
      %shift_left3A_48 = arith.shli %shift_right_arithmetic3A_46, %shift_left3A_47 : i32
      %multiple_of3A_49 = tpu.assume_multiple %shift_left3A_48, 128 : i32
      %dma_start3A_50 = arith.constant 0 : i32
      %dma_start3A_51 = arith.constant 256 : i32
      %dma_start3A_52 = tpu.memref_slice %arg6[%dma_start3A_50, %dma_start3A_51] : memref<32x2048xf32, #tpu.memory_space<vmem>> -> memref<32x128xf32, #tpu.memory_space<vmem>>
      %dma_start3A_53 = arith.constant 0 : i32
      %dma_start3A_54 = tpu.memref_slice %arg2[%dma_start3A_53, %multiple_of3A_49] : memref<32x1000000xf32, #tpu.memory_space<hbm>> -> memref<32x128xf32, #tpu.memory_space<hbm>>
      %dma_start3A_55 = arith.constant 0 : i32
      %dma_start3A_56 = arith.constant 256 : i32
      %dma_start3A_57 = tpu.memref_slice %arg6[%dma_start3A_55, %dma_start3A_56] : memref<32x2048xf32, #tpu.memory_space<vmem>> -> memref<32x128xf32, #tpu.memory_space<vmem>>
      %dma_start3A_58 = arith.constant 0 : i32
      %dma_start3A_59 = tpu.memref_slice %arg2[%dma_start3A_58, %multiple_of3A_49] : memref<32x1000000xf32, #tpu.memory_space<hbm>> -> memref<32x128xf32, #tpu.memory_space<hbm>>
      tpu.enqueue_dma source(%dma_start3A_59 : memref<32x128xf32, #tpu.memory_space<hbm>>) target(%dma_start3A_57 : memref<32x128xf32, #tpu.memory_space<vmem>>) target_semaphore(%arg8 : memref<!tpu.dma_semaphore, #tpu.memory_space<semaphore_mem>>)
      %slice3A_60 = vector.extract_strided_slice %get3A_14 {offsets = [3], sizes = [1], strides = [1]} : vector<16xi32> to vector<1xi32>
      %squeeze3A_61 = vector.extract %slice3A_60[0] : i32 from vector<1xi32>
      %shift_right_arithmetic3A_62 = arith.constant 7 : i32
      %shift_right_arithmetic3A_63 = arith.shrsi %squeeze3A_61, %shift_right_arithmetic3A_62 : i32
      %shift_left3A_64 = arith.constant 7 : i32
      %shift_left3A_65 = arith.shli %shift_right_arithmetic3A_63, %shift_left3A_64 : i32
      %multiple_of3A_66 = tpu.assume_multiple %shift_left3A_65, 128 : i32
      %dma_start3A_67 = arith.constant 0 : i32
      %dma_start3A_68 = arith.constant 384 : i32
      %dma_start3A_69 = tpu.memref_slice %arg6[%dma_start3A_67, %dma_start3A_68] : memref<32x2048xf32, #tpu.memory_space<vmem>> -> memref<32x128xf32, #tpu.memory_space<vmem>>
      %dma_start3A_70 = arith.constant 0 : i32
      %dma_start3A_71 = tpu.memref_slice %arg2[%dma_start3A_70, %multiple_of3A_66] : memref<32x1000000xf32, #tpu.memory_space<hbm>> -> memref<32x128xf32, #tpu.memory_space<hbm>>
      %dma_start3A_72 = arith.constant 0 : i32
      %dma_start3A_73 = arith.constant 384 : i32
      %dma_start3A_74 = tpu.memref_slice %arg6[%dma_start3A_72, %dma_start3A_73] : memref<32x2048xf32, #tpu.memory_space<vmem>> -> memref<32x128xf32, #tpu.memory_space<vmem>>
      %dma_start3A_75 = arith.constant 0 : i32
      %dma_start3A_76 = tpu.memref_slice %arg2[%dma_start3A_75, %multiple_of3A_66] : memref<32x1000000xf32, #tpu.memory_space<hbm>> -> memref<32x128xf32, #tpu.memory_space<hbm>>
      tpu.enqueue_dma source(%dma_start3A_76 : memref<32x128xf32, #tpu.memory_space<hbm>>) target(%dma_start3A_74 : memref<32x128xf32, #tpu.memory_space<vmem>>) target_semaphore(%arg8 : memref<!tpu.dma_semaphore, #tpu.memory_space<semaphore_mem>>)
      %slice3A_77 = vector.extract_strided_slice %get3A_14 {offsets = [4], sizes = [1], strides = [1]} : vector<16xi32> to vector<1xi32>
      %squeeze3A_78 = vector.extract %slice3A_77[0] : i32 from vector<1xi32>
      %shift_right_arithmetic3A_79 = arith.constant 7 : i32
      %shift_right_arithmetic3A_80 = arith.shrsi %squeeze3A_78, %shift_right_arithmetic3A_79 : i32
      %shift_left3A_81 = arith.constant 7 : i32
      %shift_left3A_82 = arith.shli %shift_right_arithmetic3A_80, %shift_left3A_81 : i32
      %multiple_of3A_83 = tpu.assume_multiple %shift_left3A_82, 128 : i32
      %dma_start3A_84 = arith.constant 0 : i32
      %dma_start3A_85 = arith.constant 512 : i32
      %dma_start3A_86 = tpu.memref_slice %arg6[%dma_start3A_84, %dma_start3A_85] : memref<32x2048xf32, #tpu.memory_space<vmem>> -> memref<32x128xf32, #tpu.memory_space<vmem>>
      %dma_start3A_87 = arith.constant 0 : i32
      %dma_start3A_88 = tpu.memref_slice %arg2[%dma_start3A_87, %multiple_of3A_83] : memref<32x1000000xf32, #tpu.memory_space<hbm>> -> memref<32x128xf32, #tpu.memory_space<hbm>>
      %dma_start3A_89 = arith.constant 0 : i32
      %dma_start3A_90 = arith.constant 512 : i32
      %dma_start3A_91 = tpu.memref_slice %arg6[%dma_start3A_89, %dma_start3A_90] : memref<32x2048xf32, #tpu.memory_space<vmem>> -> memref<32x128xf32, #tpu.memory_space<vmem>>
      %dma_start3A_92 = arith.constant 0 : i32
      %dma_start3A_93 = tpu.memref_slice %arg2[%dma_start3A_92, %multiple_of3A_83] : memref<32x1000000xf32, #tpu.memory_space<hbm>> -> memref<32x128xf32, #tpu.memory_space<hbm>>
      tpu.enqueue_dma source(%dma_start3A_93 : memref<32x128xf32, #tpu.memory_space<hbm>>) target(%dma_start3A_91 : memref<32x128xf32, #tpu.memory_space<vmem>>) target_semaphore(%arg8 : memref<!tpu.dma_semaphore, #tpu.memory_space<semaphore_mem>>)
      %slice3A_94 = vector.extract_strided_slice %get3A_14 {offsets = [5], sizes = [1], strides = [1]} : vector<16xi32> to vector<1xi32>
      %squeeze3A_95 = vector.extract %slice3A_94[0] : i32 from vector<1xi32>
      %shift_right_arithmetic3A_96 = arith.constant 7 : i32
      %shift_right_arithmetic3A_97 = arith.shrsi %squeeze3A_95, %shift_right_arithmetic3A_96 : i32
      %shift_left3A_98 = arith.constant 7 : i32
      %shift_left3A_99 = arith.shli %shift_right_arithmetic3A_97, %shift_left3A_98 : i32
      %multiple_of3A_100 = tpu.assume_multiple %shift_left3A_99, 128 : i32
      %dma_start3A_101 = arith.constant 0 : i32
      %dma_start3A_102 = arith.constant 640 : i32
      %dma_start3A_103 = tpu.memref_slice %arg6[%dma_start3A_101, %dma_start3A_102] : memref<32x2048xf32, #tpu.memory_space<vmem>> -> memref<32x128xf32, #tpu.memory_space<vmem>>
      %dma_start3A_104 = arith.constant 0 : i32
      %dma_start3A_105 = tpu.memref_slice %arg2[%dma_start3A_104, %multiple_of3A_100] : memref<32x1000000xf32, #tpu.memory_space<hbm>> -> memref<32x128xf32, #tpu.memory_space<hbm>>
      %dma_start3A_106 = arith.constant 0 : i32
      %dma_start3A_107 = arith.constant 640 : i32
      %dma_start3A_108 = tpu.memref_slice %arg6[%dma_start3A_106, %dma_start3A_107] : memref<32x2048xf32, #tpu.memory_space<vmem>> -> memref<32x128xf32, #tpu.memory_space<vmem>>
      %dma_start3A_109 = arith.constant 0 : i32
      %dma_start3A_110 = tpu.memref_slice %arg2[%dma_start3A_109, %multiple_of3A_100] : memref<32x1000000xf32, #tpu.memory_space<hbm>> -> memref<32x128xf32, #tpu.memory_space<hbm>>
      tpu.enqueue_dma source(%dma_start3A_110 : memref<32x128xf32, #tpu.memory_space<hbm>>) target(%dma_start3A_108 : memref<32x128xf32, #tpu.memory_space<vmem>>) target_semaphore(%arg8 : memref<!tpu.dma_semaphore, #tpu.memory_space<semaphore_mem>>)
      %slice3A_111 = vector.extract_strided_slice %get3A_14 {offsets = [6], sizes = [1], strides = [1]} : vector<16xi32> to vector<1xi32>
      %squeeze3A_112 = vector.extract %slice3A_111[0] : i32 from vector<1xi32>
      %shift_right_arithmetic3A_113 = arith.constant 7 : i32
      %shift_right_arithmetic3A_114 = arith.shrsi %squeeze3A_112, %shift_right_arithmetic3A_113 : i32
      %shift_left3A_115 = arith.constant 7 : i32
      %shift_left3A_116 = arith.shli %shift_right_arithmetic3A_114, %shift_left3A_115 : i32
      %multiple_of3A_117 = tpu.assume_multiple %shift_left3A_116, 128 : i32
      %dma_start3A_118 = arith.constant 0 : i32
      %dma_start3A_119 = arith.constant 768 : i32
      %dma_start3A_120 = tpu.memref_slice %arg6[%dma_start3A_118, %dma_start3A_119] : memref<32x2048xf32, #tpu.memory_space<vmem>> -> memref<32x128xf32, #tpu.memory_space<vmem>>
      %dma_start3A_121 = arith.constant 0 : i32
      %dma_start3A_122 = tpu.memref_slice %arg2[%dma_start3A_121, %multiple_of3A_117] : memref<32x1000000xf32, #tpu.memory_space<hbm>> -> memref<32x128xf32, #tpu.memory_space<hbm>>
      %dma_start3A_123 = arith.constant 0 : i32
      %dma_start3A_124 = arith.constant 768 : i32
      %dma_start3A_125 = tpu.memref_slice %arg6[%dma_start3A_123, %dma_start3A_124] : memref<32x2048xf32, #tpu.memory_space<vmem>> -> memref<32x128xf32, #tpu.memory_space<vmem>>
      %dma_start3A_126 = arith.constant 0 : i32
      %dma_start3A_127 = tpu.memref_slice %arg2[%dma_start3A_126, %multiple_of3A_117] : memref<32x1000000xf32, #tpu.memory_space<hbm>> -> memref<32x128xf32, #tpu.memory_space<hbm>>
      tpu.enqueue_dma source(%dma_start3A_127 : memref<32x128xf32, #tpu.memory_space<hbm>>) target(%dma_start3A_125 : memref<32x128xf32, #tpu.memory_space<vmem>>) target_semaphore(%arg8 : memref<!tpu.dma_semaphore, #tpu.memory_space<semaphore_mem>>)
      %slice3A_128 = vector.extract_strided_slice %get3A_14 {offsets = [7], sizes = [1], strides = [1]} : vector<16xi32> to vector<1xi32>
      %squeeze3A_129 = vector.extract %slice3A_128[0] : i32 from vector<1xi32>
      %shift_right_arithmetic3A_130 = arith.constant 7 : i32
      %shift_right_arithmetic3A_131 = arith.shrsi %squeeze3A_129, %shift_right_arithmetic3A_130 : i32
      %shift_left3A_132 = arith.constant 7 : i32
      %shift_left3A_133 = arith.shli %shift_right_arithmetic3A_131, %shift_left3A_132 : i32
      %multiple_of3A_134 = tpu.assume_multiple %shift_left3A_133, 128 : i32
      %dma_start3A_135 = arith.constant 0 : i32
      %dma_start3A_136 = arith.constant 896 : i32
      %dma_start3A_137 = tpu.memref_slice %arg6[%dma_start3A_135, %dma_start3A_136] : memref<32x2048xf32, #tpu.memory_space<vmem>> -> memref<32x128xf32, #tpu.memory_space<vmem>>
      %dma_start3A_138 = arith.constant 0 : i32
      %dma_start3A_139 = tpu.memref_slice %arg2[%dma_start3A_138, %multiple_of3A_134] : memref<32x1000000xf32, #tpu.memory_space<hbm>> -> memref<32x128xf32, #tpu.memory_space<hbm>>
      %dma_start3A_140 = arith.constant 0 : i32
      %dma_start3A_141 = arith.constant 896 : i32
      %dma_start3A_142 = tpu.memref_slice %arg6[%dma_start3A_140, %dma_start3A_141] : memref<32x2048xf32, #tpu.memory_space<vmem>> -> memref<32x128xf32, #tpu.memory_space<vmem>>
      %dma_start3A_143 = arith.constant 0 : i32
      %dma_start3A_144 = tpu.memref_slice %arg2[%dma_start3A_143, %multiple_of3A_134] : memref<32x1000000xf32, #tpu.memory_space<hbm>> -> memref<32x128xf32, #tpu.memory_space<hbm>>
      tpu.enqueue_dma source(%dma_start3A_144 : memref<32x128xf32, #tpu.memory_space<hbm>>) target(%dma_start3A_142 : memref<32x128xf32, #tpu.memory_space<vmem>>) target_semaphore(%arg8 : memref<!tpu.dma_semaphore, #tpu.memory_space<semaphore_mem>>)
      %slice3A_145 = vector.extract_strided_slice %get3A_14 {offsets = [8], sizes = [1], strides = [1]} : vector<16xi32> to vector<1xi32>
      %squeeze3A_146 = vector.extract %slice3A_145[0] : i32 from vector<1xi32>
      %shift_right_arithmetic3A_147 = arith.constant 7 : i32
      %shift_right_arithmetic3A_148 = arith.shrsi %squeeze3A_146, %shift_right_arithmetic3A_147 : i32
      %shift_left3A_149 = arith.constant 7 : i32
      %shift_left3A_150 = arith.shli %shift_right_arithmetic3A_148, %shift_left3A_149 : i32
      %multiple_of3A_151 = tpu.assume_multiple %shift_left3A_150, 128 : i32
      %dma_start3A_152 = arith.constant 0 : i32
      %dma_start3A_153 = arith.constant 1024 : i32
      %dma_start3A_154 = tpu.memref_slice %arg6[%dma_start3A_152, %dma_start3A_153] : memref<32x2048xf32, #tpu.memory_space<vmem>> -> memref<32x128xf32, #tpu.memory_space<vmem>>
      %dma_start3A_155 = arith.constant 0 : i32
      %dma_start3A_156 = tpu.memref_slice %arg2[%dma_start3A_155, %multiple_of3A_151] : memref<32x1000000xf32, #tpu.memory_space<hbm>> -> memref<32x128xf32, #tpu.memory_space<hbm>>
      %dma_start3A_157 = arith.constant 0 : i32
      %dma_start3A_158 = arith.constant 1024 : i32
      %dma_start3A_159 = tpu.memref_slice %arg6[%dma_start3A_157, %dma_start3A_158] : memref<32x2048xf32, #tpu.memory_space<vmem>> -> memref<32x128xf32, #tpu.memory_space<vmem>>
      %dma_start3A_160 = arith.constant 0 : i32
      %dma_start3A_161 = tpu.memref_slice %arg2[%dma_start3A_160, %multiple_of3A_151] : memref<32x1000000xf32, #tpu.memory_space<hbm>> -> memref<32x128xf32, #tpu.memory_space<hbm>>
      tpu.enqueue_dma source(%dma_start3A_161 : memref<32x128xf32, #tpu.memory_space<hbm>>) target(%dma_start3A_159 : memref<32x128xf32, #tpu.memory_space<vmem>>) target_semaphore(%arg8 : memref<!tpu.dma_semaphore, #tpu.memory_space<semaphore_mem>>)
      %slice3A_162 = vector.extract_strided_slice %get3A_14 {offsets = [9], sizes = [1], strides = [1]} : vector<16xi32> to vector<1xi32>
      %squeeze3A_163 = vector.extract %slice3A_162[0] : i32 from vector<1xi32>
      %shift_right_arithmetic3A_164 = arith.constant 7 : i32
      %shift_right_arithmetic3A_165 = arith.shrsi %squeeze3A_163, %shift_right_arithmetic3A_164 : i32
      %shift_left3A_166 = arith.constant 7 : i32
      %shift_left3A_167 = arith.shli %shift_right_arithmetic3A_165, %shift_left3A_166 : i32
      %multiple_of3A_168 = tpu.assume_multiple %shift_left3A_167, 128 : i32
      %dma_start3A_169 = arith.constant 0 : i32
      %dma_start3A_170 = arith.constant 1152 : i32
      %dma_start3A_171 = tpu.memref_slice %arg6[%dma_start3A_169, %dma_start3A_170] : memref<32x2048xf32, #tpu.memory_space<vmem>> -> memref<32x128xf32, #tpu.memory_space<vmem>>
      %dma_start3A_172 = arith.constant 0 : i32
      %dma_start3A_173 = tpu.memref_slice %arg2[%dma_start3A_172, %multiple_of3A_168] : memref<32x1000000xf32, #tpu.memory_space<hbm>> -> memref<32x128xf32, #tpu.memory_space<hbm>>
      %dma_start3A_174 = arith.constant 0 : i32
      %dma_start3A_175 = arith.constant 1152 : i32
      %dma_start3A_176 = tpu.memref_slice %arg6[%dma_start3A_174, %dma_start3A_175] : memref<32x2048xf32, #tpu.memory_space<vmem>> -> memref<32x128xf32, #tpu.memory_space<vmem>>
      %dma_start3A_177 = arith.constant 0 : i32
      %dma_start3A_178 = tpu.memref_slice %arg2[%dma_start3A_177, %multiple_of3A_168] : memref<32x1000000xf32, #tpu.memory_space<hbm>> -> memref<32x128xf32, #tpu.memory_space<hbm>>
      tpu.enqueue_dma source(%dma_start3A_178 : memref<32x128xf32, #tpu.memory_space<hbm>>) target(%dma_start3A_176 : memref<32x128xf32, #tpu.memory_space<vmem>>) target_semaphore(%arg8 : memref<!tpu.dma_semaphore, #tpu.memory_space<semaphore_mem>>)
      %slice3A_179 = vector.extract_strided_slice %get3A_14 {offsets = [10], sizes = [1], strides = [1]} : vector<16xi32> to vector<1xi32>
      %squeeze3A_180 = vector.extract %slice3A_179[0] : i32 from vector<1xi32>
      %shift_right_arithmetic3A_181 = arith.constant 7 : i32
      %shift_right_arithmetic3A_182 = arith.shrsi %squeeze3A_180, %shift_right_arithmetic3A_181 : i32
      %shift_left3A_183 = arith.constant 7 : i32
      %shift_left3A_184 = arith.shli %shift_right_arithmetic3A_182, %shift_left3A_183 : i32
      %multiple_of3A_185 = tpu.assume_multiple %shift_left3A_184, 128 : i32
      %dma_start3A_186 = arith.constant 0 : i32
      %dma_start3A_187 = arith.constant 1280 : i32
      %dma_start3A_188 = tpu.memref_slice %arg6[%dma_start3A_186, %dma_start3A_187] : memref<32x2048xf32, #tpu.memory_space<vmem>> -> memref<32x128xf32, #tpu.memory_space<vmem>>
      %dma_start3A_189 = arith.constant 0 : i32
      %dma_start3A_190 = tpu.memref_slice %arg2[%dma_start3A_189, %multiple_of3A_185] : memref<32x1000000xf32, #tpu.memory_space<hbm>> -> memref<32x128xf32, #tpu.memory_space<hbm>>
      %dma_start3A_191 = arith.constant 0 : i32
      %dma_start3A_192 = arith.constant 1280 : i32
      %dma_start3A_193 = tpu.memref_slice %arg6[%dma_start3A_191, %dma_start3A_192] : memref<32x2048xf32, #tpu.memory_space<vmem>> -> memref<32x128xf32, #tpu.memory_space<vmem>>
      %dma_start3A_194 = arith.constant 0 : i32
      %dma_start3A_195 = tpu.memref_slice %arg2[%dma_start3A_194, %multiple_of3A_185] : memref<32x1000000xf32, #tpu.memory_space<hbm>> -> memref<32x128xf32, #tpu.memory_space<hbm>>
      tpu.enqueue_dma source(%dma_start3A_195 : memref<32x128xf32, #tpu.memory_space<hbm>>) target(%dma_start3A_193 : memref<32x128xf32, #tpu.memory_space<vmem>>) target_semaphore(%arg8 : memref<!tpu.dma_semaphore, #tpu.memory_space<semaphore_mem>>)
      %slice3A_196 = vector.extract_strided_slice %get3A_14 {offsets = [11], sizes = [1], strides = [1]} : vector<16xi32> to vector<1xi32>
      %squeeze3A_197 = vector.extract %slice3A_196[0] : i32 from vector<1xi32>
      %shift_right_arithmetic3A_198 = arith.constant 7 : i32
      %shift_right_arithmetic3A_199 = arith.shrsi %squeeze3A_197, %shift_right_arithmetic3A_198 : i32
      %shift_left3A_200 = arith.constant 7 : i32
      %shift_left3A_201 = arith.shli %shift_right_arithmetic3A_199, %shift_left3A_200 : i32
      %multiple_of3A_202 = tpu.assume_multiple %shift_left3A_201, 128 : i32
      %dma_start3A_203 = arith.constant 0 : i32
      %dma_start3A_204 = arith.constant 1408 : i32
      %dma_start3A_205 = tpu.memref_slice %arg6[%dma_start3A_203, %dma_start3A_204] : memref<32x2048xf32, #tpu.memory_space<vmem>> -> memref<32x128xf32, #tpu.memory_space<vmem>>
      %dma_start3A_206 = arith.constant 0 : i32
      %dma_start3A_207 = tpu.memref_slice %arg2[%dma_start3A_206, %multiple_of3A_202] : memref<32x1000000xf32, #tpu.memory_space<hbm>> -> memref<32x128xf32, #tpu.memory_space<hbm>>
      %dma_start3A_208 = arith.constant 0 : i32
      %dma_start3A_209 = arith.constant 1408 : i32
      %dma_start3A_210 = tpu.memref_slice %arg6[%dma_start3A_208, %dma_start3A_209] : memref<32x2048xf32, #tpu.memory_space<vmem>> -> memref<32x128xf32, #tpu.memory_space<vmem>>
      %dma_start3A_211 = arith.constant 0 : i32
      %dma_start3A_212 = tpu.memref_slice %arg2[%dma_start3A_211, %multiple_of3A_202] : memref<32x1000000xf32, #tpu.memory_space<hbm>> -> memref<32x128xf32, #tpu.memory_space<hbm>>
      tpu.enqueue_dma source(%dma_start3A_212 : memref<32x128xf32, #tpu.memory_space<hbm>>) target(%dma_start3A_210 : memref<32x128xf32, #tpu.memory_space<vmem>>) target_semaphore(%arg8 : memref<!tpu.dma_semaphore, #tpu.memory_space<semaphore_mem>>)
      %slice3A_213 = vector.extract_strided_slice %get3A_14 {offsets = [12], sizes = [1], strides = [1]} : vector<16xi32> to vector<1xi32>
      %squeeze3A_214 = vector.extract %slice3A_213[0] : i32 from vector<1xi32>
      %shift_right_arithmetic3A_215 = arith.constant 7 : i32
      %shift_right_arithmetic3A_216 = arith.shrsi %squeeze3A_214, %shift_right_arithmetic3A_215 : i32
      %shift_left3A_217 = arith.constant 7 : i32
      %shift_left3A_218 = arith.shli %shift_right_arithmetic3A_216, %shift_left3A_217 : i32
      %multiple_of3A_219 = tpu.assume_multiple %shift_left3A_218, 128 : i32
      %dma_start3A_220 = arith.constant 0 : i32
      %dma_start3A_221 = arith.constant 1536 : i32
      %dma_start3A_222 = tpu.memref_slice %arg6[%dma_start3A_220, %dma_start3A_221] : memref<32x2048xf32, #tpu.memory_space<vmem>> -> memref<32x128xf32, #tpu.memory_space<vmem>>
      %dma_start3A_223 = arith.constant 0 : i32
      %dma_start3A_224 = tpu.memref_slice %arg2[%dma_start3A_223, %multiple_of3A_219] : memref<32x1000000xf32, #tpu.memory_space<hbm>> -> memref<32x128xf32, #tpu.memory_space<hbm>>
      %dma_start3A_225 = arith.constant 0 : i32
      %dma_start3A_226 = arith.constant 1536 : i32
      %dma_start3A_227 = tpu.memref_slice %arg6[%dma_start3A_225, %dma_start3A_226] : memref<32x2048xf32, #tpu.memory_space<vmem>> -> memref<32x128xf32, #tpu.memory_space<vmem>>
      %dma_start3A_228 = arith.constant 0 : i32
      %dma_start3A_229 = tpu.memref_slice %arg2[%dma_start3A_228, %multiple_of3A_219] : memref<32x1000000xf32, #tpu.memory_space<hbm>> -> memref<32x128xf32, #tpu.memory_space<hbm>>
      tpu.enqueue_dma source(%dma_start3A_229 : memref<32x128xf32, #tpu.memory_space<hbm>>) target(%dma_start3A_227 : memref<32x128xf32, #tpu.memory_space<vmem>>) target_semaphore(%arg8 : memref<!tpu.dma_semaphore, #tpu.memory_space<semaphore_mem>>)
      %slice3A_230 = vector.extract_strided_slice %get3A_14 {offsets = [13], sizes = [1], strides = [1]} : vector<16xi32> to vector<1xi32>
      %squeeze3A_231 = vector.extract %slice3A_230[0] : i32 from vector<1xi32>
      %shift_right_arithmetic3A_232 = arith.constant 7 : i32
      %shift_right_arithmetic3A_233 = arith.shrsi %squeeze3A_231, %shift_right_arithmetic3A_232 : i32
      %shift_left3A_234 = arith.constant 7 : i32
      %shift_left3A_235 = arith.shli %shift_right_arithmetic3A_233, %shift_left3A_234 : i32
      %multiple_of3A_236 = tpu.assume_multiple %shift_left3A_235, 128 : i32
      %dma_start3A_237 = arith.constant 0 : i32
      %dma_start3A_238 = arith.constant 1664 : i32
      %dma_start3A_239 = tpu.memref_slice %arg6[%dma_start3A_237, %dma_start3A_238] : memref<32x2048xf32, #tpu.memory_space<vmem>> -> memref<32x128xf32, #tpu.memory_space<vmem>>
      %dma_start3A_240 = arith.constant 0 : i32
      %dma_start3A_241 = tpu.memref_slice %arg2[%dma_start3A_240, %multiple_of3A_236] : memref<32x1000000xf32, #tpu.memory_space<hbm>> -> memref<32x128xf32, #tpu.memory_space<hbm>>
      %dma_start3A_242 = arith.constant 0 : i32
      %dma_start3A_243 = arith.constant 1664 : i32
      %dma_start3A_244 = tpu.memref_slice %arg6[%dma_start3A_242, %dma_start3A_243] : memref<32x2048xf32, #tpu.memory_space<vmem>> -> memref<32x128xf32, #tpu.memory_space<vmem>>
      %dma_start3A_245 = arith.constant 0 : i32
      %dma_start3A_246 = tpu.memref_slice %arg2[%dma_start3A_245, %multiple_of3A_236] : memref<32x1000000xf32, #tpu.memory_space<hbm>> -> memref<32x128xf32, #tpu.memory_space<hbm>>
      tpu.enqueue_dma source(%dma_start3A_246 : memref<32x128xf32, #tpu.memory_space<hbm>>) target(%dma_start3A_244 : memref<32x128xf32, #tpu.memory_space<vmem>>) target_semaphore(%arg8 : memref<!tpu.dma_semaphore, #tpu.memory_space<semaphore_mem>>)
      %slice3A_247 = vector.extract_strided_slice %get3A_14 {offsets = [14], sizes = [1], strides = [1]} : vector<16xi32> to vector<1xi32>
      %squeeze3A_248 = vector.extract %slice3A_247[0] : i32 from vector<1xi32>
      %shift_right_arithmetic3A_249 = arith.constant 7 : i32
      %shift_right_arithmetic3A_250 = arith.shrsi %squeeze3A_248, %shift_right_arithmetic3A_249 : i32
      %shift_left3A_251 = arith.constant 7 : i32
      %shift_left3A_252 = arith.shli %shift_right_arithmetic3A_250, %shift_left3A_251 : i32
      %multiple_of3A_253 = tpu.assume_multiple %shift_left3A_252, 128 : i32
      %dma_start3A_254 = arith.constant 0 : i32
      %dma_start3A_255 = arith.constant 1792 : i32
      %dma_start3A_256 = tpu.memref_slice %arg6[%dma_start3A_254, %dma_start3A_255] : memref<32x2048xf32, #tpu.memory_space<vmem>> -> memref<32x128xf32, #tpu.memory_space<vmem>>
      %dma_start3A_257 = arith.constant 0 : i32
      %dma_start3A_258 = tpu.memref_slice %arg2[%dma_start3A_257, %multiple_of3A_253] : memref<32x1000000xf32, #tpu.memory_space<hbm>> -> memref<32x128xf32, #tpu.memory_space<hbm>>
      %dma_start3A_259 = arith.constant 0 : i32
      %dma_start3A_260 = arith.constant 1792 : i32
      %dma_start3A_261 = tpu.memref_slice %arg6[%dma_start3A_259, %dma_start3A_260] : memref<32x2048xf32, #tpu.memory_space<vmem>> -> memref<32x128xf32, #tpu.memory_space<vmem>>
      %dma_start3A_262 = arith.constant 0 : i32
      %dma_start3A_263 = tpu.memref_slice %arg2[%dma_start3A_262, %multiple_of3A_253] : memref<32x1000000xf32, #tpu.memory_space<hbm>> -> memref<32x128xf32, #tpu.memory_space<hbm>>
      tpu.enqueue_dma source(%dma_start3A_263 : memref<32x128xf32, #tpu.memory_space<hbm>>) target(%dma_start3A_261 : memref<32x128xf32, #tpu.memory_space<vmem>>) target_semaphore(%arg8 : memref<!tpu.dma_semaphore, #tpu.memory_space<semaphore_mem>>)
      %slice3A_264 = vector.extract_strided_slice %get3A_14 {offsets = [15], sizes = [1], strides = [1]} : vector<16xi32> to vector<1xi32>
      %squeeze3A_265 = vector.extract %slice3A_264[0] : i32 from vector<1xi32>
      %shift_right_arithmetic3A_266 = arith.constant 7 : i32
      %shift_right_arithmetic3A_267 = arith.shrsi %squeeze3A_265, %shift_right_arithmetic3A_266 : i32
      %shift_left3A_268 = arith.constant 7 : i32
      %shift_left3A_269 = arith.shli %shift_right_arithmetic3A_267, %shift_left3A_268 : i32
      %multiple_of3A_270 = tpu.assume_multiple %shift_left3A_269, 128 : i32
      %dma_start3A_271 = arith.constant 0 : i32
      %dma_start3A_272 = arith.constant 1920 : i32
      %dma_start3A_273 = tpu.memref_slice %arg6[%dma_start3A_271, %dma_start3A_272] : memref<32x2048xf32, #tpu.memory_space<vmem>> -> memref<32x128xf32, #tpu.memory_space<vmem>>
      %dma_start3A_274 = arith.constant 0 : i32
      %dma_start3A_275 = tpu.memref_slice %arg2[%dma_start3A_274, %multiple_of3A_270] : memref<32x1000000xf32, #tpu.memory_space<hbm>> -> memref<32x128xf32, #tpu.memory_space<hbm>>
      %dma_start3A_276 = arith.constant 0 : i32
      %dma_start3A_277 = arith.constant 1920 : i32
      %dma_start3A_278 = tpu.memref_slice %arg6[%dma_start3A_276, %dma_start3A_277] : memref<32x2048xf32, #tpu.memory_space<vmem>> -> memref<32x128xf32, #tpu.memory_space<vmem>>
      %dma_start3A_279 = arith.constant 0 : i32
      %dma_start3A_280 = tpu.memref_slice %arg2[%dma_start3A_279, %multiple_of3A_270] : memref<32x1000000xf32, #tpu.memory_space<hbm>> -> memref<32x128xf32, #tpu.memory_space<hbm>>
      tpu.enqueue_dma source(%dma_start3A_280 : memref<32x128xf32, #tpu.memory_space<hbm>>) target(%dma_start3A_278 : memref<32x128xf32, #tpu.memory_space<vmem>>) target_semaphore(%arg8 : memref<!tpu.dma_semaphore, #tpu.memory_space<semaphore_mem>>)
      %dma_wait3A = arith.constant 0 : i32
      %dma_wait3A_281 = arith.constant 0 : i32
      %dma_wait3A_282 = tpu.memref_slice %arg2[%dma_wait3A, %dma_wait3A_281] : memref<32x1000000xf32, #tpu.memory_space<hbm>> -> memref<32x2048xf32, #tpu.memory_space<hbm>>
      %dma_wait3A_283 = arith.constant 0 : i32
      %dma_wait3A_284 = arith.constant 0 : i32
      %dma_wait3A_285 = tpu.memref_slice %arg2[%dma_wait3A_283, %dma_wait3A_284] : memref<32x1000000xf32, #tpu.memory_space<hbm>> -> memref<32x2048xf32, #tpu.memory_space<hbm>>
      tpu.wait_dma2 semaphore(%arg8 : memref<!tpu.dma_semaphore, #tpu.memory_space<semaphore_mem>>) src(%dma_wait3A_285 : memref<32x2048xf32, #tpu.memory_space<hbm>>) dst(%arg6 : memref<32x2048xf32, #tpu.memory_space<vmem>>)
      %and3A = arith.constant 127 : i32
      %and3A_286 = vector.broadcast %and3A : i32 to vector<16xi32>
      %and3A_287 = arith.andi %get3A_14, %and3A_286 : vector<16xi32>
      %iota3A = tpu.iota {dimensions = array<i32: 0>} : vector<16xi32>
      %mul3A_288 = arith.constant 128 : i32
      %mul3A_289 = vector.broadcast %mul3A_288 : i32 to vector<16xi32>
      %mul3A_290 = arith.muli %iota3A, %mul3A_289 : vector<16xi32>
      %add3A_291 = arith.addi %mul3A_290, %and3A_287 : vector<16xi32>
      %mul3A_292 = arith.constant 16 : i32
      %mul3A_293 = arith.muli %add3A_11, %mul3A_292 : i32
      %iota3A_294 = tpu.iota {dimensions = array<i32: 0>} : vector<16xi32>
      %add3A_295 = vector.broadcast %mul3A_293 : i32 to vector<16xi32>
      %add3A_296 = arith.addi %add3A_295, %iota3A_294 : vector<16xi32>
      %broadcast_in_dim3A = arith.constant 0 : i32
      %broadcast_in_dim3A_297 = vector.broadcast %broadcast_in_dim3A : i32 to vector<16xi32>
      %gather3A = tpu.vector_load_idx %arg6[%broadcast_in_dim3A_297, %add3A_291] : memref<32x2048xf32, #tpu.memory_space<vmem>>[vector<16xi32>, vector<16xi32>], vector<16xf32>,
      tpu.vector_store_idx %arg7[%broadcast_in_dim3A_297, %add3A_296], %gather3A : memref<32x512xf32, #tpu.memory_space<vmem>>[vector<16xi32>, vector<16xi32>], vector<16xf32>,
      %broadcast_in_dim3A_298 = arith.constant 1 : i32
      %broadcast_in_dim3A_299 = vector.broadcast %broadcast_in_dim3A_298 : i32 to vector<16xi32>
      %gather3A_300 = tpu.vector_load_idx %arg6[%broadcast_in_dim3A_299, %add3A_291] : memref<32x2048xf32, #tpu.memory_space<vmem>>[vector<16xi32>, vector<16xi32>], vector<16xf32>,
      tpu.vector_store_idx %arg7[%broadcast_in_dim3A_299, %add3A_296], %gather3A_300 : memref<32x512xf32, #tpu.memory_space<vmem>>[vector<16xi32>, vector<16xi32>], vector<16xf32>,
      %broadcast_in_dim3A_301 = arith.constant 2 : i32
      %broadcast_in_dim3A_302 = vector.broadcast %broadcast_in_dim3A_301 : i32 to vector<16xi32>
      %gather3A_303 = tpu.vector_load_idx %arg6[%broadcast_in_dim3A_302, %add3A_291] : memref<32x2048xf32, #tpu.memory_space<vmem>>[vector<16xi32>, vector<16xi32>], vector<16xf32>,
      tpu.vector_store_idx %arg7[%broadcast_in_dim3A_302, %add3A_296], %gather3A_303 : memref<32x512xf32, #tpu.memory_space<vmem>>[vector<16xi32>, vector<16xi32>], vector<16xf32>,
      %broadcast_in_dim3A_304 = arith.constant 3 : i32
      %broadcast_in_dim3A_305 = vector.broadcast %broadcast_in_dim3A_304 : i32 to vector<16xi32>
      %gather3A_306 = tpu.vector_load_idx %arg6[%broadcast_in_dim3A_305, %add3A_291] : memref<32x2048xf32, #tpu.memory_space<vmem>>[vector<16xi32>, vector<16xi32>], vector<16xf32>,
      tpu.vector_store_idx %arg7[%broadcast_in_dim3A_305, %add3A_296], %gather3A_306 : memref<32x512xf32, #tpu.memory_space<vmem>>[vector<16xi32>, vector<16xi32>], vector<16xf32>,
      %broadcast_in_dim3A_307 = arith.constant 4 : i32
      %broadcast_in_dim3A_308 = vector.broadcast %broadcast_in_dim3A_307 : i32 to vector<16xi32>
      %gather3A_309 = tpu.vector_load_idx %arg6[%broadcast_in_dim3A_308, %add3A_291] : memref<32x2048xf32, #tpu.memory_space<vmem>>[vector<16xi32>, vector<16xi32>], vector<16xf32>,
      tpu.vector_store_idx %arg7[%broadcast_in_dim3A_308, %add3A_296], %gather3A_309 : memref<32x512xf32, #tpu.memory_space<vmem>>[vector<16xi32>, vector<16xi32>], vector<16xf32>,
      %broadcast_in_dim3A_310 = arith.constant 5 : i32
      %broadcast_in_dim3A_311 = vector.broadcast %broadcast_in_dim3A_310 : i32 to vector<16xi32>
      %gather3A_312 = tpu.vector_load_idx %arg6[%broadcast_in_dim3A_311, %add3A_291] : memref<32x2048xf32, #tpu.memory_space<vmem>>[vector<16xi32>, vector<16xi32>], vector<16xf32>,
      tpu.vector_store_idx %arg7[%broadcast_in_dim3A_311, %add3A_296], %gather3A_312 : memref<32x512xf32, #tpu.memory_space<vmem>>[vector<16xi32>, vector<16xi32>], vector<16xf32>,
      %broadcast_in_dim3A_313 = arith.constant 6 : i32
      %broadcast_in_dim3A_314 = vector.broadcast %broadcast_in_dim3A_313 : i32 to vector<16xi32>
      %gather3A_315 = tpu.vector_load_idx %arg6[%broadcast_in_dim3A_314, %add3A_291] : memref<32x2048xf32, #tpu.memory_space<vmem>>[vector<16xi32>, vector<16xi32>], vector<16xf32>,
      tpu.vector_store_idx %arg7[%broadcast_in_dim3A_314, %add3A_296], %gather3A_315 : memref<32x512xf32, #tpu.memory_space<vmem>>[vector<16xi32>, vector<16xi32>], vector<16xf32>,
      %broadcast_in_dim3A_316 = arith.constant 7 : i32
      %broadcast_in_dim3A_317 = vector.broadcast %broadcast_in_dim3A_316 : i32 to vector<16xi32>
      %gather3A_318 = tpu.vector_load_idx %arg6[%broadcast_in_dim3A_317, %add3A_291] : memref<32x2048xf32, #tpu.memory_space<vmem>>[vector<16xi32>, vector<16xi32>], vector<16xf32>,
      tpu.vector_store_idx %arg7[%broadcast_in_dim3A_317, %add3A_296], %gather3A_318 : memref<32x512xf32, #tpu.memory_space<vmem>>[vector<16xi32>, vector<16xi32>], vector<16xf32>,
      %broadcast_in_dim3A_319 = arith.constant 8 : i32
      %broadcast_in_dim3A_320 = vector.broadcast %broadcast_in_dim3A_319 : i32 to vector<16xi32>
      %gather3A_321 = tpu.vector_load_idx %arg6[%broadcast_in_dim3A_320, %add3A_291] : memref<32x2048xf32, #tpu.memory_space<vmem>>[vector<16xi32>, vector<16xi32>], vector<16xf32>,
      tpu.vector_store_idx %arg7[%broadcast_in_dim3A_320, %add3A_296], %gather3A_321 : memref<32x512xf32, #tpu.memory_space<vmem>>[vector<16xi32>, vector<16xi32>], vector<16xf32>,
      %broadcast_in_dim3A_322 = arith.constant 9 : i32
      %broadcast_in_dim3A_323 = vector.broadcast %broadcast_in_dim3A_322 : i32 to vector<16xi32>
      %gather3A_324 = tpu.vector_load_idx %arg6[%broadcast_in_dim3A_323, %add3A_291] : memref<32x2048xf32, #tpu.memory_space<vmem>>[vector<16xi32>, vector<16xi32>], vector<16xf32>,
      tpu.vector_store_idx %arg7[%broadcast_in_dim3A_323, %add3A_296], %gather3A_324 : memref<32x512xf32, #tpu.memory_space<vmem>>[vector<16xi32>, vector<16xi32>], vector<16xf32>,
      %broadcast_in_dim3A_325 = arith.constant 10 : i32
      %broadcast_in_dim3A_326 = vector.broadcast %broadcast_in_dim3A_325 : i32 to vector<16xi32>
      %gather3A_327 = tpu.vector_load_idx %arg6[%broadcast_in_dim3A_326, %add3A_291] : memref<32x2048xf32, #tpu.memory_space<vmem>>[vector<16xi32>, vector<16xi32>], vector<16xf32>,
      tpu.vector_store_idx %arg7[%broadcast_in_dim3A_326, %add3A_296], %gather3A_327 : memref<32x512xf32, #tpu.memory_space<vmem>>[vector<16xi32>, vector<16xi32>], vector<16xf32>,
      %broadcast_in_dim3A_328 = arith.constant 11 : i32
      %broadcast_in_dim3A_329 = vector.broadcast %broadcast_in_dim3A_328 : i32 to vector<16xi32>
      %gather3A_330 = tpu.vector_load_idx %arg6[%broadcast_in_dim3A_329, %add3A_291] : memref<32x2048xf32, #tpu.memory_space<vmem>>[vector<16xi32>, vector<16xi32>], vector<16xf32>,
      tpu.vector_store_idx %arg7[%broadcast_in_dim3A_329, %add3A_296], %gather3A_330 : memref<32x512xf32, #tpu.memory_space<vmem>>[vector<16xi32>, vector<16xi32>], vector<16xf32>,
      %broadcast_in_dim3A_331 = arith.constant 12 : i32
      %broadcast_in_dim3A_332 = vector.broadcast %broadcast_in_dim3A_331 : i32 to vector<16xi32>
      %gather3A_333 = tpu.vector_load_idx %arg6[%broadcast_in_dim3A_332, %add3A_291] : memref<32x2048xf32, #tpu.memory_space<vmem>>[vector<16xi32>, vector<16xi32>], vector<16xf32>,
      tpu.vector_store_idx %arg7[%broadcast_in_dim3A_332, %add3A_296], %gather3A_333 : memref<32x512xf32, #tpu.memory_space<vmem>>[vector<16xi32>, vector<16xi32>], vector<16xf32>,
      %broadcast_in_dim3A_334 = arith.constant 13 : i32
      %broadcast_in_dim3A_335 = vector.broadcast %broadcast_in_dim3A_334 : i32 to vector<16xi32>
      %gather3A_336 = tpu.vector_load_idx %arg6[%broadcast_in_dim3A_335, %add3A_291] : memref<32x2048xf32, #tpu.memory_space<vmem>>[vector<16xi32>, vector<16xi32>], vector<16xf32>,
      tpu.vector_store_idx %arg7[%broadcast_in_dim3A_335, %add3A_296], %gather3A_336 : memref<32x512xf32, #tpu.memory_space<vmem>>[vector<16xi32>, vector<16xi32>], vector<16xf32>,
      %broadcast_in_dim3A_337 = arith.constant 14 : i32
      %broadcast_in_dim3A_338 = vector.broadcast %broadcast_in_dim3A_337 : i32 to vector<16xi32>
      %gather3A_339 = tpu.vector_load_idx %arg6[%broadcast_in_dim3A_338, %add3A_291] : memref<32x2048xf32, #tpu.memory_space<vmem>>[vector<16xi32>, vector<16xi32>], vector<16xf32>,
      tpu.vector_store_idx %arg7[%broadcast_in_dim3A_338, %add3A_296], %gather3A_339 : memref<32x512xf32, #tpu.memory_space<vmem>>[vector<16xi32>, vector<16xi32>], vector<16xf32>,
      %broadcast_in_dim3A_340 = arith.constant 15 : i32
      %broadcast_in_dim3A_341 = vector.broadcast %broadcast_in_dim3A_340 : i32 to vector<16xi32>
      %gather3A_342 = tpu.vector_load_idx %arg6[%broadcast_in_dim3A_341, %add3A_291] : memref<32x2048xf32, #tpu.memory_space<vmem>>[vector<16xi32>, vector<16xi32>], vector<16xf32>,
      tpu.vector_store_idx %arg7[%broadcast_in_dim3A_341, %add3A_296], %gather3A_342 : memref<32x512xf32, #tpu.memory_space<vmem>>[vector<16xi32>, vector<16xi32>], vector<16xf32>,
      %broadcast_in_dim3A_343 = arith.constant 16 : i32
      %broadcast_in_dim3A_344 = vector.broadcast %broadcast_in_dim3A_343 : i32 to vector<16xi32>
      %gather3A_345 = tpu.vector_load_idx %arg6[%broadcast_in_dim3A_344, %add3A_291] : memref<32x2048xf32, #tpu.memory_space<vmem>>[vector<16xi32>, vector<16xi32>], vector<16xf32>,
      tpu.vector_store_idx %arg7[%broadcast_in_dim3A_344, %add3A_296], %gather3A_345 : memref<32x512xf32, #tpu.memory_space<vmem>>[vector<16xi32>, vector<16xi32>], vector<16xf32>,
      %broadcast_in_dim3A_346 = arith.constant 17 : i32
      %broadcast_in_dim3A_347 = vector.broadcast %broadcast_in_dim3A_346 : i32 to vector<16xi32>
      %gather3A_348 = tpu.vector_load_idx %arg6[%broadcast_in_dim3A_347, %add3A_291] : memref<32x2048xf32, #tpu.memory_space<vmem>>[vector<16xi32>, vector<16xi32>], vector<16xf32>,
      tpu.vector_store_idx %arg7[%broadcast_in_dim3A_347, %add3A_296], %gather3A_348 : memref<32x512xf32, #tpu.memory_space<vmem>>[vector<16xi32>, vector<16xi32>], vector<16xf32>,
      %broadcast_in_dim3A_349 = arith.constant 18 : i32
      %broadcast_in_dim3A_350 = vector.broadcast %broadcast_in_dim3A_349 : i32 to vector<16xi32>
      %gather3A_351 = tpu.vector_load_idx %arg6[%broadcast_in_dim3A_350, %add3A_291] : memref<32x2048xf32, #tpu.memory_space<vmem>>[vector<16xi32>, vector<16xi32>], vector<16xf32>,
      tpu.vector_store_idx %arg7[%broadcast_in_dim3A_350, %add3A_296], %gather3A_351 : memref<32x512xf32, #tpu.memory_space<vmem>>[vector<16xi32>, vector<16xi32>], vector<16xf32>,
      %broadcast_in_dim3A_352 = arith.constant 19 : i32
      %broadcast_in_dim3A_353 = vector.broadcast %broadcast_in_dim3A_352 : i32 to vector<16xi32>
      %gather3A_354 = tpu.vector_load_idx %arg6[%broadcast_in_dim3A_353, %add3A_291] : memref<32x2048xf32, #tpu.memory_space<vmem>>[vector<16xi32>, vector<16xi32>], vector<16xf32>,
      tpu.vector_store_idx %arg7[%broadcast_in_dim3A_353, %add3A_296], %gather3A_354 : memref<32x512xf32, #tpu.memory_space<vmem>>[vector<16xi32>, vector<16xi32>], vector<16xf32>,
      %broadcast_in_dim3A_355 = arith.constant 20 : i32
      %broadcast_in_dim3A_356 = vector.broadcast %broadcast_in_dim3A_355 : i32 to vector<16xi32>
      %gather3A_357 = tpu.vector_load_idx %arg6[%broadcast_in_dim3A_356, %add3A_291] : memref<32x2048xf32, #tpu.memory_space<vmem>>[vector<16xi32>, vector<16xi32>], vector<16xf32>,
      tpu.vector_store_idx %arg7[%broadcast_in_dim3A_356, %add3A_296], %gather3A_357 : memref<32x512xf32, #tpu.memory_space<vmem>>[vector<16xi32>, vector<16xi32>], vector<16xf32>,
      %broadcast_in_dim3A_358 = arith.constant 21 : i32
      %broadcast_in_dim3A_359 = vector.broadcast %broadcast_in_dim3A_358 : i32 to vector<16xi32>
      %gather3A_360 = tpu.vector_load_idx %arg6[%broadcast_in_dim3A_359, %add3A_291] : memref<32x2048xf32, #tpu.memory_space<vmem>>[vector<16xi32>, vector<16xi32>], vector<16xf32>,
      tpu.vector_store_idx %arg7[%broadcast_in_dim3A_359, %add3A_296], %gather3A_360 : memref<32x512xf32, #tpu.memory_space<vmem>>[vector<16xi32>, vector<16xi32>], vector<16xf32>,
      %broadcast_in_dim3A_361 = arith.constant 22 : i32
      %broadcast_in_dim3A_362 = vector.broadcast %broadcast_in_dim3A_361 : i32 to vector<16xi32>
      %gather3A_363 = tpu.vector_load_idx %arg6[%broadcast_in_dim3A_362, %add3A_291] : memref<32x2048xf32, #tpu.memory_space<vmem>>[vector<16xi32>, vector<16xi32>], vector<16xf32>,
      tpu.vector_store_idx %arg7[%broadcast_in_dim3A_362, %add3A_296], %gather3A_363 : memref<32x512xf32, #tpu.memory_space<vmem>>[vector<16xi32>, vector<16xi32>], vector<16xf32>,
      %broadcast_in_dim3A_364 = arith.constant 23 : i32
      %broadcast_in_dim3A_365 = vector.broadcast %broadcast_in_dim3A_364 : i32 to vector<16xi32>
      %gather3A_366 = tpu.vector_load_idx %arg6[%broadcast_in_dim3A_365, %add3A_291] : memref<32x2048xf32, #tpu.memory_space<vmem>>[vector<16xi32>, vector<16xi32>], vector<16xf32>,
      tpu.vector_store_idx %arg7[%broadcast_in_dim3A_365, %add3A_296], %gather3A_366 : memref<32x512xf32, #tpu.memory_space<vmem>>[vector<16xi32>, vector<16xi32>], vector<16xf32>,
      %broadcast_in_dim3A_367 = arith.constant 24 : i32
      %broadcast_in_dim3A_368 = vector.broadcast %broadcast_in_dim3A_367 : i32 to vector<16xi32>
      %gather3A_369 = tpu.vector_load_idx %arg6[%broadcast_in_dim3A_368, %add3A_291] : memref<32x2048xf32, #tpu.memory_space<vmem>>[vector<16xi32>, vector<16xi32>], vector<16xf32>,
      tpu.vector_store_idx %arg7[%broadcast_in_dim3A_368, %add3A_296], %gather3A_369 : memref<32x512xf32, #tpu.memory_space<vmem>>[vector<16xi32>, vector<16xi32>], vector<16xf32>,
      %broadcast_in_dim3A_370 = arith.constant 25 : i32
      %broadcast_in_dim3A_371 = vector.broadcast %broadcast_in_dim3A_370 : i32 to vector<16xi32>
      %gather3A_372 = tpu.vector_load_idx %arg6[%broadcast_in_dim3A_371, %add3A_291] : memref<32x2048xf32, #tpu.memory_space<vmem>>[vector<16xi32>, vector<16xi32>], vector<16xf32>,
      tpu.vector_store_idx %arg7[%broadcast_in_dim3A_371, %add3A_296], %gather3A_372 : memref<32x512xf32, #tpu.memory_space<vmem>>[vector<16xi32>, vector<16xi32>], vector<16xf32>,
      %broadcast_in_dim3A_373 = arith.constant 26 : i32
      %broadcast_in_dim3A_374 = vector.broadcast %broadcast_in_dim3A_373 : i32 to vector<16xi32>
      %gather3A_375 = tpu.vector_load_idx %arg6[%broadcast_in_dim3A_374, %add3A_291] : memref<32x2048xf32, #tpu.memory_space<vmem>>[vector<16xi32>, vector<16xi32>], vector<16xf32>,
      tpu.vector_store_idx %arg7[%broadcast_in_dim3A_374, %add3A_296], %gather3A_375 : memref<32x512xf32, #tpu.memory_space<vmem>>[vector<16xi32>, vector<16xi32>], vector<16xf32>,
      %broadcast_in_dim3A_376 = arith.constant 27 : i32
      %broadcast_in_dim3A_377 = vector.broadcast %broadcast_in_dim3A_376 : i32 to vector<16xi32>
      %gather3A_378 = tpu.vector_load_idx %arg6[%broadcast_in_dim3A_377, %add3A_291] : memref<32x2048xf32, #tpu.memory_space<vmem>>[vector<16xi32>, vector<16xi32>], vector<16xf32>,
      tpu.vector_store_idx %arg7[%broadcast_in_dim3A_377, %add3A_296], %gather3A_378 : memref<32x512xf32, #tpu.memory_space<vmem>>[vector<16xi32>, vector<16xi32>], vector<16xf32>,
      %broadcast_in_dim3A_379 = arith.constant 28 : i32
      %broadcast_in_dim3A_380 = vector.broadcast %broadcast_in_dim3A_379 : i32 to vector<16xi32>
      %gather3A_381 = tpu.vector_load_idx %arg6[%broadcast_in_dim3A_380, %add3A_291] : memref<32x2048xf32, #tpu.memory_space<vmem>>[vector<16xi32>, vector<16xi32>], vector<16xf32>,
      tpu.vector_store_idx %arg7[%broadcast_in_dim3A_380, %add3A_296], %gather3A_381 : memref<32x512xf32, #tpu.memory_space<vmem>>[vector<16xi32>, vector<16xi32>], vector<16xf32>,
      %broadcast_in_dim3A_382 = arith.constant 29 : i32
      %broadcast_in_dim3A_383 = vector.broadcast %broadcast_in_dim3A_382 : i32 to vector<16xi32>
      %gather3A_384 = tpu.vector_load_idx %arg6[%broadcast_in_dim3A_383, %add3A_291] : memref<32x2048xf32, #tpu.memory_space<vmem>>[vector<16xi32>, vector<16xi32>], vector<16xf32>,
      tpu.vector_store_idx %arg7[%broadcast_in_dim3A_383, %add3A_296], %gather3A_384 : memref<32x512xf32, #tpu.memory_space<vmem>>[vector<16xi32>, vector<16xi32>], vector<16xf32>,
      %broadcast_in_dim3A_385 = arith.constant 30 : i32
      %broadcast_in_dim3A_386 = vector.broadcast %broadcast_in_dim3A_385 : i32 to vector<16xi32>
      %gather3A_387 = tpu.vector_load_idx %arg6[%broadcast_in_dim3A_386, %add3A_291] : memref<32x2048xf32, #tpu.memory_space<vmem>>[vector<16xi32>, vector<16xi32>], vector<16xf32>,
      tpu.vector_store_idx %arg7[%broadcast_in_dim3A_386, %add3A_296], %gather3A_387 : memref<32x512xf32, #tpu.memory_space<vmem>>[vector<16xi32>, vector<16xi32>], vector<16xf32>,
      %broadcast_in_dim3A_388 = arith.constant 31 : i32
      %broadcast_in_dim3A_389 = vector.broadcast %broadcast_in_dim3A_388 : i32 to vector<16xi32>
      %gather3A_390 = tpu.vector_load_idx %arg6[%broadcast_in_dim3A_389, %add3A_291] : memref<32x2048xf32, #tpu.memory_space<vmem>>[vector<16xi32>, vector<16xi32>], vector<16xf32>,
      tpu.vector_store_idx %arg7[%broadcast_in_dim3A_389, %add3A_296], %gather3A_390 : memref<32x512xf32, #tpu.memory_space<vmem>>[vector<16xi32>, vector<16xi32>], vector<16xf32>,
    }
    %scan3A_6 = arith.constant 32 : i32
    "tpu.region"() ({
      %run_scoped3A = tpu.sem_alloc : memref<!tpu.dma_semaphore, #tpu.memory_space<semaphore_mem>>
      %dma_start3A = arith.constant 0 : i32
      %dma_start3A_7 = tpu.memref_slice %arg4[%dma_start3A, %mul3A_2] : memref<32x16384xf32, #tpu.memory_space<hbm>> -> memref<32x512xf32, #tpu.memory_space<hbm>>
      %dma_start3A_8 = arith.constant 0 : i32
      %dma_start3A_9 = tpu.memref_slice %arg4[%dma_start3A_8, %mul3A_2] : memref<32x16384xf32, #tpu.memory_space<hbm>> -> memref<32x512xf32, #tpu.memory_space<hbm>>
      tpu.enqueue_dma source(%arg7 : memref<32x512xf32, #tpu.memory_space<vmem>>) target(%dma_start3A_9 : memref<32x512xf32, #tpu.memory_space<hbm>>) target_semaphore(%run_scoped3A : memref<!tpu.dma_semaphore, #tpu.memory_space<semaphore_mem>>)
      %dma_wait3A = arith.constant 0 : i32
      %dma_wait3A_10 = tpu.memref_slice %arg4[%dma_wait3A, %mul3A_2] : memref<32x16384xf32, #tpu.memory_space<hbm>> -> memref<32x512xf32, #tpu.memory_space<hbm>>
      %dma_wait3A_11 = arith.constant 0 : i32
      %dma_wait3A_12 = tpu.memref_slice %arg4[%dma_wait3A_11, %mul3A_2] : memref<32x16384xf32, #tpu.memory_space<hbm>> -> memref<32x512xf32, #tpu.memory_space<hbm>>
      tpu.wait_dma2 semaphore(%run_scoped3A : memref<!tpu.dma_semaphore, #tpu.memory_space<semaphore_mem>>) src(%arg7 : memref<32x512xf32, #tpu.memory_space<vmem>>) dst(%dma_wait3A_12 : memref<32x512xf32, #tpu.memory_space<hbm>>)
      tpu.yield
    }) : () -> ()
    return
  }
}

</mosaic_0001>

<sc_bundles>
// kernel: kernel.3.cloned.1.call-start
scs
__scs_entry_jumppad:
0x0: {  	(pc) =	sbr.rel $0x88, $3  }
0x1: {  	(tag) =	ssettag $0x0;
	lr =	simm.s32 $0x1  }
0x2: {  	[smem:$0x3F9F] =	sst lr;
	_ =	strace $0xD0000000  }
0x3: {  	_ = 	snop  }
0x4: {  	_ = 	snop  }
0x5: {  	_ = 	snop  }
0x6: {  	_ = 	snop  }
0x7: {  	_ = 	snop  }
__scs_overlays_trampoline_lowered:
0x8: {  	[smem:$0x3FAE] =	sst s0  }
0x9: {  	[smem:$0x3FAF] =	sst s1  }
0xa: {  	[smem:$0x3FB0] =	sst s2  }
0xb: {  	[smem:$0x3FB1] =	sst s3  }
0xc: {  	[smem:$0x3FB2] =	sst s4  }
0xd: {  	[smem:$0x3FB3] =	sst s5  }
0xe: {  	[smem:$0x3FB4] =	sst s6  }
0xf: {  	[smem:$0x3FB5] =	sst s7  }
0x10: {  	[smem:$0x3FB6] =	sst s8  }
0x11: {  	[smem:$0x3FB7] =	sst s9;
	s0 =	simm.s32 @!p0 $0x0  }
0x12: {  	s1 =	sld [smem:$0x3F9D];
	s0 =	simm.s32 @p0 $0x1  }
0x13: {  	[smem:$0x3FB8] =	sst s0;
	s0 =	simm.s32 @!p1 $0x0  }
0x14: {  	s2 =	sld [smem:$0x3F9C];
	s0 =	simm.s32 @p1 $0x1  }
0x15: {  	[smem:$0x3FB9] =	sst s0;
	s0 =	simm.s32 @!p2 $0x0  }
0x16: {  	s3 =	sld [smem:$0x3FDB];
	s0 =	simm.s32 @p2 $0x1  }
0x17: {  	s4 =	simm.s32 $0x1BF5;
	[smem:$0x3FBB] =	sst s0  }
0x18: {  	s0 =	sld [smem:$0x3F9E];
	_ =	swait.ge [sflag:s4], $0x0  }
0x19: {  	s7 =	sld [smem:$0x3F9F]  }
0x1a: {  	s8 =	sadd.s32 $0xFFFFE003, lr  }
0x1b: {  	s9 =	sadd.s32 $0xFFFFFEF7, lr;
	s5 =	simm.s32 $0xFFFFFFFF;
	p2 =	slt.u32 s8, $0xFFFFF086  }
0x1c: {  	p1 =	slt.u32 s9, $0xF7A;
	s5 =	simm.s32 @!p2 $0x0  }
0x1d: {  	s5 =	simm.s32 @p1 $0x1;
	p0 =	seq.s32 s7, s2  }
0x1e: {  	s7 =	smul.u32 @!p0 $0xF7A, s2;
	p2 =	seq.s32 @!p0 s5, $0x0  }
0x1f: {  	s9 =	smul.u32 $0xF7A, s1;
	s8 =	simm.s32 @!p0 $0x1BF5;
	p2 =	por !p2, p0  }
0x20: {  	[sflag:s8] =	ssyncset.s32 @!p0 $0xFFFFF086;
	s6 =	sadd.s32 @!p0 s3, s7;
	s7 =	simm.s32 @!p0 $0x108  }
0x21: {  	s3 =	sadd.s32 s3, s9;
	s6 =	sadd.s32 @!p0 $0x88, s6;
	s7 =	simm.s32 @p2 $0x1082  }
0x22: {  	[simem:s7], [sflag:s8] =	dma.local @!p0 [hbm:s6], $0xF7A  }
0x23: {  	s9 =	sor.u32 $0xD0000000, s2;
	s6 =	simm.s32 $0x108;
	_ =	swait.ge @!p0 [sflag:s8], $0x0  }
0x24: {  	s3 =	sadd.s32 $0x88, s3;
	s6 =	simm.s32 @!p1 $0x1082;
	[sflag:s4] =	ssyncset.s32 $0xFFFFF086  }
0x25: {  	[simem:s6], [sflag:s4] =	dma.local [hbm:s3], $0xF7A  }
0x26: {  	[smem:$0x3F9F] =	sst s1;
	(tag) =	ssettag s2;
	_ =	strace s9  }
0x27: {  	s1 =	sld [smem:$0x3FAF]  }
0x28: {  	s2 =	sld [smem:$0x3FB0]  }
0x29: {  	s4 =	sld [smem:$0x3FB2]  }
0x2a: {  	p0 =	seq.s32 s5, $0x0;
	s5 =	sld [smem:$0x3FB3]  }
0x2b: {  	s6 =	sld [smem:$0x3FB4]  }
0x2c: {  	s7 =	sld [smem:$0x3FB5]  }
0x2d: {  	s3 =	simm.s32 $0x108;
	s8 =	sld [smem:$0x3FB6]  }
0x2e: {  	s3 =	simm.s32 @!p0 $0x1082;
	s9 =	sld [smem:$0x3FB7]  }
0x2f: {  	lr =	sadd.s32 s0, s3;
	s0 =	sld [smem:$0x3FAE]  }
0x30: {  	s3 =	sld [smem:$0x3FB1]  }
0x31: {  	[smem:$0x3FBA] =	sst s10  }
0x32: {  	s10 =	sld [smem:$0x3FB8];
	_ =	sdelay $0x3  }
0x33: {  	p0 =	seq.s32 s10, $0x1;
	s10 =	sld [smem:$0x3FBA];
	_ =	sdelay $0x3  }
0x34: {  	[smem:$0x3FBA] =	sst s10  }
0x35: {  	s10 =	sld [smem:$0x3FB9];
	_ =	sdelay $0x3  }
0x36: {  	p1 =	seq.s32 s10, $0x1;
	s10 =	sld [smem:$0x3FBA];
	_ =	sdelay $0x3  }
0x37: {  	[smem:$0x3FBA] =	sst s10  }
0x38: {  	s10 =	sld [smem:$0x3FBB]  }
0x39: {  	_ = 	snop;
	(pc) =	sbr.ind lr, $3  }
0x3a: {  	_ = 	snop  }
0x3b: {  	_ = 	snop  }
0x3c: {  	p2 =	seq.s32 s10, $0x1;
	s10 =	sld [smem:$0x3FBA]  }
0x3d: {  	_ =	shalt  }
0x3e: {  	_ =	shalt  }
0x3f: {  	_ =	shalt  }
0x40: {  	_ =	shalt  }
0x41: {  	_ =	shalt  }
0x42: {  	_ =	shalt  }
0x43: {  	_ =	shalt  }
0x44: {  	_ =	shalt  }
0x45: {  	_ =	shalt  }
0x46: {  	_ =	shalt  }
0x47: {  	_ =	shalt  }
0x48: {  	_ =	shalt  }
0x49: {  	_ =	shalt  }
0x4a: {  	_ =	shalt  }
0x4b: {  	_ =	shalt  }
0x4c: {  	_ =	shalt  }
0x4d: {  	_ =	shalt  }
0x4e: {  	_ =	shalt  }
0x4f: {  	_ =	shalt  }
0x50: {  	_ =	shalt  }
0x51: {  	_ =	shalt  }
0x52: {  	_ =	shalt  }
0x53: {  	_ =	shalt  }
0x54: {  	_ =	shalt  }
0x55: {  	_ =	shalt  }
0x56: {  	_ =	shalt  }
0x57: {  	_ =	shalt  }
0x58: {  	_ =	shalt  }
0x59: {  	_ =	shalt  }
0x5a: {  	_ =	shalt  }
0x5b: {  	_ =	shalt  }
0x5c: {  	_ =	shalt  }
0x5d: {  	_ =	shalt  }
0x5e: {  	_ =	shalt  }
0x5f: {  	_ =	shalt  }
0x60: {  	_ =	shalt  }
0x61: {  	_ =	shalt  }
0x62: {  	_ =	shalt  }
0x63: {  	_ =	shalt  }
0x64: {  	_ =	shalt  }
0x65: {  	_ =	shalt  }
0x66: {  	_ =	shalt  }
0x67: {  	_ =	shalt  }
0x68: {  	_ =	shalt  }
0x69: {  	_ =	shalt  }
0x6a: {  	_ =	shalt  }
0x6b: {  	_ =	shalt  }
0x6c: {  	_ =	shalt  }
0x6d: {  	_ =	shalt  }
0x6e: {  	_ =	shalt  }
0x6f: {  	_ =	shalt  }
0x70: {  	_ =	shalt  }
0x71: {  	_ =	shalt  }
0x72: {  	_ =	shalt  }
0x73: {  	_ =	shalt  }
0x74: {  	_ =	shalt  }
0x75: {  	_ =	shalt  }
0x76: {  	_ =	shalt  }
0x77: {  	_ =	shalt  }
0x78: {  	_ =	shalt  }
0x79: {  	_ =	shalt  }
0x7a: {  	_ =	shalt  }
0x7b: {  	_ =	shalt  }
0x7c: {  	_ =	shalt  }
0x7d: {  	_ =	shalt  }
0x7e: {  	_ =	shalt  }
0x7f: {  	_ =	shalt  }
0x80: {  	_ =	shalt  }
0x81: {  	_ =	shalt  }
0x82: {  	_ =	shalt  }
0x83: {  	_ =	shalt  }
0x84: {  	_ =	shalt  }
0x85: {  	_ =	shalt  }
0x86: {  	_ =	shalt  }
0x87: {  	_ =	shalt  }
.Lfunc_end0:
.L_simem_size_0:
called_computation_lowered:
.L_overlay_start_0:
0x88: {  	s2 =	sld [smem:$0x3FD9]  }
0x89: {  	s3 =	sld [smem:$0x3FFE];
	_ =	sdelay $0x1  }
0x8a: {  	s1 =	srdreg.scid  }
0x8b: {  	s0 =	sand.u32 $0x1, s1  }
0x8c: {  	s18 =	sshll.u32 s0, $0xA;
	s2 =	sadd.s32 s3, s2  }
0x8d: {  	s2 =	sadd.s32 s2, s18  }
0x8e: {  	[smem:$0x3FC6] =	sst s2  }
0x8f: {  	_ = 	snop  }
0x90: {  	s2 =	sld [smem:$0x3FC9]  }
0x91: {  	s19 =	sld [smem:$0x3FC8]  }
0x92: {  	s4 =	sld [smem:$0x3FD0];
	(tm) =	ssettm $0x1  }
0x93: {  	s5 =	sld [smem:$0x3FFB];
	_ =	sdelay $0x3  }
0x94: {  	_ =	strace s5  }
0x95: {  	s5 =	sld [smem:$0x3FFC];
	_ =	sdelay $0x3  }
0x96: {  	_ =	strace s5  }
0x97: {  	s5 =	sld [smem:$0x3FFD];
	_ =	sdelay $0x3  }
0x98: {  	_ =	strace s5  }
0x99: {  	_ =	strace $0x8FFFFFFF  }
0x9a: {  	s20 =	sld [smem:$0x3FDB];
	_ =	sdelay $0x1  }
0x9b: {  	s6 =	simm.s32 $_scs_section_size  }
0x9c: {  	s7 =	simm.s32 $_size__tile_overlayer_lowered;
	s8 =	simm.s32 $_tile_overlayer_lowered  }
0x9d: {  	s23 =	simm.s32 $0x1BFF;
	s22 =	sshll.u32 s8, $0x1;
	s5 =	sadd.s32 s6, s20  }
0x9e: {  	s9 =	simm.s32 $0x0;
	s21 =	sshll.u32 s7, $0x1;
	s7 =	sadd.s32 s22, s5  }
0x9f: {  	[timem:s9], [sflag:s23] =	dma.local [hbm:s7], s21  }
0xa0: {  	_ =	swait.ge [sflag:s23], s21  }
0xa1: {  	s6 =	ssub.s32 $0x0, s21;
	[sflag:s23] =	ssyncset.done $0x0  }
0xa2: {  	[sflag:s23] =	ssyncadd.s32 s6;
	_ =	sdelay $0x1  }
0xa3: {  	s24 =	simm.s32 $0x1B8B  }
0xa4: {  	_ =	swait.ge [sflag:s24], $0x1  }
0xa5: {  	[sflag:s24] =	ssyncset.done $0x0  }
0xa6: {  	s25 =	simm.s32 $0x1B8E;
	[sflag:s24] =	ssyncadd.s32 $0xFFFFFFFF  }
0xa7: {  	s26 =	simm.s32 $execute0_lowered;
	[smem:$0x3FD2] =	sst s25  }
0xa8: {  	s6 =	sshll.u32 s26, $0x1;
	_ =	strace $0x80000046;
	[dreg:$0x1] =	wrdreg $0xFFFFFFFF  }
0xa9: {  	s28 =	simm.s32 $_size_execute0_lowered;
	s5 =	sadd.s32 s5, s6;
	[dreg:$0x0] =	wrdreg $0x0  }
0xaa: {  	s6 =	sshll.u32 s28, $0x1;
	[dreg:$0x2] =	wrdreg s5  }
0xab: {  	[dreg:$0x3] =	wrdreg s6  }
0xac: {  	[dreg:$0x4] =	wrdreg $0xC0  }
0xad: {  	_ =	task [dreg:s9], $0x5FFFF  }
0xae: {  	[dreg:$0x1] =	wrdreg $0xFFFFFFFF  }
0xaf: {  	[dreg:$0x0] =	wrdreg $0x60  }
0xb0: {  	[dreg:$0x2] =	wrdreg s19  }
0xb1: {  	[dreg:$0x3] =	wrdreg s2  }
0xb2: {  	[dreg:$0x4] =	wrdreg s4  }
0xb3: {  	[dreg:$0x5] =	wrdreg $0x9  }
0xb4: {  	_ =	task.clear_ibuf [dreg:s9], $0x6FFFF;
	_ =	strace $0x90000046  }
0xb5: {  	s29 =	simm.s32 $0x9;
	_ =	strace $0x80000048  }
0xb6: {  	_ =	swait.ge [sflag:s29], $0x1  }
0xb7: {  	[sflag:s29] =	ssyncadd.s32 $0xFFFFFFFF  }
0xb8: {  	_ =	strace $0x90000048  }
0xb9: {  	_ =	sfence  }
0xba: {  	s30 =	sld [smem:$0x0];
	_ =	sdelay $0x2  }
0xbb: {  	s31 =	sshll.u32 s1, $0xD;
	s1 =	sshrl.u32 s1, $0x2  }
0xbc: {  	s3 =	sand.u32 $0x4000, s31;
	s1 =	sadd.s32 s1, s30  }
0xbd: {  	s0 =	sor.u32 s3, s0;
	s1 =	sshll.u32 s1, $0x11  }
0xbe: {  	s0 =	sor.u32 s1, s0  }
0xbf: {  	s0 =	sadd.s32 $0x8F2B, s0  }
0xc0: {  	[sflag:s0] =	ssyncadd.remote.s32 $0x1  }
0xc1: {  	_ =	sfence.sel $0xFFFF  }
0xc2: {  	[dreg:$0x0] =	wrdreg $0xFFFFFFFF;
	(pc) =	sbr.abs _section_cstart, $3  }
0xc3: {  	[dreg:$0x1] =	wrdreg $0xFFFFFFFF  }
0xc4: {  	_ =	task.clear_ibuf [dreg:s9], $0x2FFFF;
	_ =	strace $0x9FFFFFFF  }
0xc5: {  	(tm) =	ssettm $0x7FFFFFFF  }
tec
execute0_lowered:
.L_overlay_start_1:
0x0: {  	(tag) =	ssettag $0x1  }
0x1: {  	s1 =	rddreg [dreg:$0x0]  }
0x2: {  	s4 =	rddreg [dreg:$0x1]  }
0x3: {  	s5 =	rddreg [dreg:$0x2]  }
0x4: {  	s0 =	rddreg [dreg:$0x3];
	s2 =	simm.s32 $0x0  }
0x5: {  	s3 =	simm.s32 $0x4200;
	[smem:$0x7FF] =	sst s2  }
0x6: {  	s19 =	simm.s32 $0x8200;
	_ =	strace $0x80000047;
	[dreg:$0x4] =	wrdreg s3  }
0x7: {  	s20 =	simm.s32 $0xC200;
	[dreg:$0x5] =	wrdreg s19  }
0x8: {  	s21 =	simm.s32 $0x600;
	[dreg:$0x6] =	wrdreg s20  }
0x9: {  	s22 =	simm.s32 $0x4600;
	[dreg:$0x7] =	wrdreg s21  }
0xa: {  	s23 =	simm.s32 $0x8600;
	[dreg:$0x8] =	wrdreg s22  }
0xb: {  	s24 =	simm.s32 $0xC600;
	[dreg:$0x9] =	wrdreg s23  }
0xc: {  	s25 =	simm.s32 $0xA00;
	[dreg:$0xa] =	wrdreg s24  }
0xd: {  	s26 =	simm.s32 $0x4A00;
	[dreg:$0xb] =	wrdreg s25  }
0xe: {  	s28 =	simm.s32 $0x8A00;
	[dreg:$0xc] =	wrdreg s26  }
0xf: {  	s29 =	simm.s32 $0xCA00;
	[dreg:$0xd] =	wrdreg s28  }
0x10: {  	s30 =	simm.s32 $0xE00;
	[dreg:$0xe] =	wrdreg s29  }
0x11: {  	s31 =	simm.s32 $0x4E00;
	[dreg:$0xf] =	wrdreg s30  }
0x12: {  	s6 =	simm.s32 $0x8E00;
	[dreg:$0x10] =	wrdreg s31  }
0x13: {  	s7 =	simm.s32 $0xCE00;
	[dreg:$0x11] =	wrdreg s6  }
0x14: {  	s8 =	simm.s32 $0x1200;
	[dreg:$0x12] =	wrdreg s7  }
0x15: {  	s9 =	simm.s32 $0x5200;
	[dreg:$0x13] =	wrdreg s8  }
0x16: {  	s10 =	simm.s32 $0x9200;
	[dreg:$0x14] =	wrdreg s9  }
0x17: {  	s11 =	simm.s32 $0xD200;
	[dreg:$0x15] =	wrdreg s10  }
0x18: {  	s12 =	simm.s32 $0x1600;
	[dreg:$0x16] =	wrdreg s11  }
0x19: {  	s13 =	simm.s32 $0x5600;
	[dreg:$0x17] =	wrdreg s12  }
0x1a: {  	s14 =	simm.s32 $0x9600;
	[dreg:$0x18] =	wrdreg s13  }
0x1b: {  	s15 =	simm.s32 $0xD600;
	[dreg:$0x19] =	wrdreg s14  }
0x1c: {  	s16 =	simm.s32 $0x1A00;
	[dreg:$0x1a] =	wrdreg s15  }
0x1d: {  	s17 =	simm.s32 $0x5A00;
	[dreg:$0x1b] =	wrdreg s16  }
0x1e: {  	s18 =	simm.s32 $0x9A00;
	[dreg:$0x1c] =	wrdreg s17  }
0x1f: {  	[dreg:$0x1d] =	wrdreg s18;
	s19 =	simm.s32 $0xDA00  }
0x20: {  	s20 =	simm.s32 $0x1E00;
	[dreg:$0x1e] =	wrdreg s19  }
0x21: {  	s21 =	simm.s32 $0x5E00;
	[dreg:$0x1f] =	wrdreg s20  }
0x22: {  	s22 =	simm.s32 $0x9E00;
	[smem:$0x7DB] =	sst s21  }
0x23: {  	s23 =	simm.s32 $0xDE00;
	[smem:$0x7DC] =	sst s22  }
0x24: {  	s24 =	simm.s32 $0x2200;
	[smem:$0x7DD] =	sst s23  }
0x25: {  	s25 =	simm.s32 $0x6200;
	[smem:$0x7DE] =	sst s24  }
0x26: {  	s26 =	simm.s32 $0xA200;
	[smem:$0x7DF] =	sst s25  }
0x27: {  	s28 =	simm.s32 $0xE200;
	[smem:$0x7E0] =	sst s26  }
0x28: {  	s29 =	simm.s32 $0x2600;
	[smem:$0x7E1] =	sst s28  }
0x29: {  	s30 =	simm.s32 $0x6600;
	[smem:$0x7E2] =	sst s29  }
0x2a: {  	s31 =	simm.s32 $0xA600;
	[smem:$0x7E3] =	sst s30  }
0x2b: {  	s6 =	simm.s32 $0xE600;
	[smem:$0x7E4] =	sst s31  }
0x2c: {  	s7 =	simm.s32 $0x2A00;
	[smem:$0x7E5] =	sst s6  }
0x2d: {  	s8 =	simm.s32 $0x6A00;
	[smem:$0x7E6] =	sst s7  }
0x2e: {  	s9 =	simm.s32 $0xAA00;
	[smem:$0x7E7] =	sst s8  }
0x2f: {  	s10 =	simm.s32 $0xEA00;
	[smem:$0x7E8] =	sst s9  }
0x30: {  	s11 =	simm.s32 $0x2E00;
	[smem:$0x7E9] =	sst s10  }
0x31: {  	s12 =	simm.s32 $0x6E00;
	[smem:$0x7EA] =	sst s11  }
0x32: {  	s13 =	simm.s32 $0xAE00;
	[smem:$0x7EB] =	sst s12  }
0x33: {  	s14 =	simm.s32 $0xEE00;
	[smem:$0x7EC] =	sst s13  }
0x34: {  	s15 =	simm.s32 $0x3200;
	[smem:$0x7ED] =	sst s14  }
0x35: {  	s16 =	simm.s32 $0xB200;
	[smem:$0x7EE] =	sst s15  }
0x36: {  	s17 =	simm.s32 $0xF200;
	[smem:$0x7F0] =	sst s16  }
0x37: {  	s18 =	simm.s32 $0x3600;
	[smem:$0x7F1] =	sst s17  }
0x38: {  	s3 =	stileid.u32;
	s7 =	simm.s32 $0x7200;
	[smem:$0x7F2] =	sst s18  }
0x39: {  	v0 =	vlaneseq.u32;
	s6 =	srdreg.scid;
	s19 =	simm.s32 $0x7600;
	[smem:$0x7EF] =	sst s7  }
0x3a: {  	v1 =	vmul.u32 $0x400, v0;
	s20 =	simm.s32 $0xB600;
	s21 =	sshll.u32 s3, $0xA;
	[smem:$0x7F3] =	sst s19  }
0x3b: {  	s22 =	simm.s32 $0xF600;
	s23 =	simm.s32 $0x3A00;
	[smem:$0x7F4] =	sst s20  }
0x3c: {  	v2 =	vor.u32 $0x80, v1;
	s24 =	simm.s32 $0x7A00;
	s25 =	simm.s32 $0xBA00;
	[smem:$0x7F5] =	sst s22  }
0x3d: {  	v3 =	vor.u32 $0x100, v1;
	v4 =	vor.u32 $0x180, v1;
	v5 =	vor.u32 $0x200, v1;
	s26 =	simm.s32 $0xFA00;
	s28 =	simm.s32 $0x3E00;
	[smem:$0x7F6] =	sst s23  }
0x3e: {  	v6 =	vor.u32 $0x280, v1;
	v7 =	vor.u32 $0x300, v1;
	v8 =	vor.u32 $0x380, v1;
	s29 =	simm.s32 $0x7E00;
	s30 =	simm.s32 $0xBE00;
	[smem:$0x7F7] =	sst s24  }
0x3f: {  	v9 =	vor.u32 $0x4000, v1;
	v10 =	vor.u32 $0x4080, v1;
	v11 =	vor.u32 $0x4100, v1;
	s31 =	simm.s32 $0xFE00;
	s10 =	simm.s32 $0x10200;
	[smem:$0x7F8] =	sst s25  }
0x40: {  	v12 =	vor.u32 $0x4180, v1;
	v13 =	vor.u32 $0x4200, v1;
	v14 =	vor.u32 $0x4280, v1;
	s11 =	simm.s32 $0x1000;
	s12 =	simm.s32 $0x20000;
	[smem:$0x7F9] =	sst s26  }
0x41: {  	v15 =	vor.u32 $0x4300, v1;
	v16 =	vor.u32 $0x4380, v1;
	v17 =	vor.u32 $0x8000, v1;
	s13 =	simm.s32 $0x0;
	s6 =	sand.u32 $0x1, s6;
	[smem:$0x7FA] =	sst s28  }
0x42: {  	v18 =	vor.u32 $0x8080, v1;
	v19 =	vor.u32 $0x8100, v1;
	v20 =	vor.u32 $0x8180, v1;
	s7 =	simm.s32 $0x2;
	s8 =	ssub.s32 $0x2, s6;
	s6 =	sshll.u32 s6, $0x9  }
0x43: {  	v21 =	vor.u32 $0x8200, v1;
	v22 =	vor.u32 $0x8280, v1;
	v23 =	vor.u32 $0x8300, v1;
	[smem:$0x7FB] =	sst s29;
	s9 =	sshrl.u32 s8, $0x1;
	s6 =	sor.u32 s6, s21  }
0x44: {  	v24 =	vor.u32 $0x8380, v1;
	v25 =	vor.u32 $0xC000, v1;
	v26 =	vor.u32 $0xC080, v1;
	[smem:$0x7FC] =	sst s30;
	s8 =	ssub.s32 s8, s9;
	s9 =	sshrl.u32 s6, $0x3  }
0x45: {  	v27 =	vor.u32 $0xC100, v1;
	v28 =	vor.u32 $0xC180, v1;
	v29 =	vor.u32 $0xC200, v1;
	[smem:$0x7FD] =	sst s31;
	s5 =	sadd.s32 s5, s6;
	s4 =	sadd.s32 s4, s9  }
0x46: {  	v30 =	vor.u32 $0xC280, v1;
	v31 =	vor.u32 $0xC300, v1;
	v32 =	vor.u32 $0xC380, v1;
	s6 =	smax.u32 s8, $0x1;
	s8 =	simm.s32 $0x200;
	s9 =	simm.s32 $0x1  }
.LBB2_1:
0x47: {  	[tilespmem:s2], [sflag:$0x2] =	stream.linear.gather [hbm4b:s4+s2], $0x200, $0x38;
	[tilespmem:$0x14200] =	vst v63  }
0x48: {  	_ =	swait.ge [sflag:s7], $0x200  }
0x49: {  	[sflag:s7] =	ssyncset.done $0x0  }
0x4a: {  	[sflag:s7] =	ssyncadd.s32 $0xFFFFFE00  }
0x4b: {  	v33 =	vld [tilespmem:s2+$0x0];
	_ =	sdelay $0x4  }
0x4c: {  	(v2sf) =	vpush v33, $0x0;
	_ =	sdelay $0x5  }
0x4d: {  	(v2sf) =	vpush v33, $0x1;
	_ =	sdelay $0x7  }
0x4e: {  	(v2sf) =	vpush v33, $0x2  }
0x4f: {  	s14 =	spop (v2sf)  }
0x50: {  	s14 =	sand.u32 $0xFFFFF80, s14  }
0x51: {  	s15 =	rddreg [dreg:$0x4];
	s14 =	sadd.s32 s1, s14  }
0x52: {  	[tilespmem:s8], [sflag:$0x1] =	stream.linear.gather [hbm4b:s14+s2], $0x400, $0x38;
	[tilespmem:$0x14200] =	vst v63  }
0x53: {  	s16 =	rddreg [dreg:$0x5];
	s17 =	sadd.s32 $0xF4280, s14  }
0x54: {  	(v2sf) =	vpush v33, $0x3;
	[tilespmem:s15], [sflag:$0x1] =	stream.linear.gather [hbm4b:s17+s2], $0x400, $0x38;
	[tilespmem:$0x14200] =	vst v63  }
0x55: {  	s18 =	rddreg [dreg:$0x6];
	s30 =	spop (v2sf);
	s31 =	sadd.s32 $0x1E8500, s14  }
0x56: {  	[tilespmem:s16], [sflag:$0x1] =	stream.linear.gather [hbm4b:s31+s2], $0x400, $0x38;
	[tilespmem:$0x14200] =	vst v63  }
0x57: {  	s20 =	rddreg [dreg:$0x8];
	s14 =	sadd.s32 $0x2DC780, s14;
	s15 =	sand.u32 $0xFFFFF80, s30  }
0x58: {  	[tilespmem:s18], [sflag:$0x1] =	stream.linear.gather [hbm4b:s14+s2], $0x400, $0x38;
	[tilespmem:$0x14200] =	vst v63  }
0x59: {  	s17 =	rddreg [dreg:$0x7];
	s19 =	sadd.s32 s1, s15  }
0x5a: {  	(v2sf) =	vpush v33, $0x4;
	[tilespmem:s17], [sflag:$0x1] =	stream.linear.gather [hbm4b:s19+s2], $0x400, $0x38;
	[tilespmem:$0x14200] =	vst v63  }
0x5b: {  	s22 =	rddreg [dreg:$0x9];
	s21 =	sadd.s32 $0xF4280, s19  }
0x5c: {  	[tilespmem:s20], [sflag:$0x1] =	stream.linear.gather [hbm4b:s21+s2], $0x400, $0x38;
	[tilespmem:$0x14200] =	vst v63  }
0x5d: {  	s25 =	rddreg [dreg:$0xa];
	s23 =	spop (v2sf);
	s24 =	sadd.s32 $0x1E8500, s19  }
0x5e: {  	[tilespmem:s22], [sflag:$0x1] =	stream.linear.gather [hbm4b:s24+s2], $0x400, $0x38;
	[tilespmem:$0x14200] =	vst v63  }
0x5f: {  	s26 =	rddreg [dreg:$0xb];
	s15 =	sand.u32 $0xFFFFF80, s23;
	s14 =	sadd.s32 $0x2DC780, s19  }
0x60: {  	[tilespmem:s25], [sflag:$0x1] =	stream.linear.gather [hbm4b:s14+s2], $0x400, $0x38;
	[tilespmem:$0x14200] =	vst v63  }
0x61: {  	s29 =	rddreg [dreg:$0xc];
	s28 =	sadd.s32 s1, s15  }
0x62: {  	[tilespmem:s26], [sflag:$0x1] =	stream.linear.gather [hbm4b:s28+s2], $0x400, $0x38;
	[tilespmem:$0x14200] =	vst v63  }
0x63: {  	s23 =	rddreg [dreg:$0x10];
	s30 =	sadd.s32 $0xF4280, s28;
	s18 =	spop (v2sf)  }
0x64: {  	(v2sf) =	vpush v33, $0x5;
	[tilespmem:s29], [sflag:$0x1] =	stream.linear.gather [hbm4b:s30+s2], $0x400, $0x38;
	[tilespmem:$0x14200] =	vst v63  }
0x65: {  	s31 =	rddreg [dreg:$0xd];
	s19 =	sadd.s32 $0x1E8500, s28  }
0x66: {  	[tilespmem:s31], [sflag:$0x1] =	stream.linear.gather [hbm4b:s19+s2], $0x400, $0x38;
	[tilespmem:$0x14200] =	vst v63  }
0x67: {  	s20 =	rddreg [dreg:$0xe];
	s15 =	sand.u32 $0xFFFFF80, s18;
	s14 =	sadd.s32 $0x2DC780, s28  }
0x68: {  	[tilespmem:s20], [sflag:$0x1] =	stream.linear.gather [hbm4b:s14+s2], $0x400, $0x38;
	[tilespmem:$0x14200] =	vst v63  }
0x69: {  	s21 =	rddreg [dreg:$0xf];
	s22 =	sadd.s32 s1, s15;
	s26 =	spop (v2sf)  }
0x6a: {  	(v2sf) =	vpush v33, $0x6;
	[tilespmem:s21], [sflag:$0x1] =	stream.linear.gather [hbm4b:s22+s2], $0x400, $0x38;
	[tilespmem:$0x14200] =	vst v63  }
0x6b: {  	s17 =	rddreg [dreg:$0x14];
	s24 =	sadd.s32 $0xF4280, s22  }
0x6c: {  	[tilespmem:s23], [sflag:$0x1] =	stream.linear.gather [hbm4b:s24+s2], $0x400, $0x38;
	[tilespmem:$0x14200] =	vst v63  }
0x6d: {  	s25 =	rddreg [dreg:$0x11];
	s28 =	sadd.s32 $0x1E8500, s22  }
0x6e: {  	[tilespmem:s25], [sflag:$0x1] =	stream.linear.gather [hbm4b:s28+s2], $0x400, $0x38;
	[tilespmem:$0x14200] =	vst v63  }
0x6f: {  	s15 =	sand.u32 $0xFFFFF80, s26;
	s29 =	rddreg [dreg:$0x12];
	s14 =	sadd.s32 $0x2DC780, s22  }
0x70: {  	[tilespmem:s29], [sflag:$0x1] =	stream.linear.gather [hbm4b:s14+s2], $0x400, $0x38;
	[tilespmem:$0x14200] =	vst v63  }
0x71: {  	s30 =	rddreg [dreg:$0x13];
	s31 =	sadd.s32 s1, s15  }
0x72: {  	[tilespmem:s30], [sflag:$0x1] =	stream.linear.gather [hbm4b:s31+s2], $0x400, $0x38;
	[tilespmem:$0x14200] =	vst v63  }
0x73: {  	s19 =	rddreg [dreg:$0x15];
	s18 =	sadd.s32 $0xF4280, s31;
	s20 =	spop (v2sf)  }
0x74: {  	(v2sf) =	vpush v33, $0x7;
	[tilespmem:s17], [sflag:$0x1] =	stream.linear.gather [hbm4b:s18+s2], $0x400, $0x38;
	[tilespmem:$0x14200] =	vst v63  }
0x75: {  	s21 =	sadd.s32 $0x1E8500, s31;
	s22 =	rddreg [dreg:$0x16]  }
0x76: {  	[tilespmem:s19], [sflag:$0x1] =	stream.linear.gather [hbm4b:s21+s2], $0x400, $0x38;
	[tilespmem:$0x14200] =	vst v63  }
0x77: {  	s23 =	rddreg [dreg:$0x17];
	s15 =	sand.u32 $0xFFFFF80, s20;
	s14 =	sadd.s32 $0x2DC780, s31  }
0x78: {  	[tilespmem:s22], [sflag:$0x1] =	stream.linear.gather [hbm4b:s14+s2], $0x400, $0x38;
	[tilespmem:$0x14200] =	vst v63  }
0x79: {  	s25 =	rddreg [dreg:$0x18];
	s24 =	sadd.s32 s1, s15;
	s29 =	spop (v2sf)  }
0x7a: {  	(v2sf) =	vpush v33, $0x8;
	[tilespmem:s23], [sflag:$0x1] =	stream.linear.gather [hbm4b:s24+s2], $0x400, $0x38;
	[tilespmem:$0x14200] =	vst v63  }
0x7b: {  	s28 =	rddreg [dreg:$0x19];
	s26 =	sadd.s32 $0xF4280, s24  }
0x7c: {  	[tilespmem:s25], [sflag:$0x1] =	stream.linear.gather [hbm4b:s26+s2], $0x400, $0x38;
	[tilespmem:$0x14200] =	vst v63  }
0x7d: {  	s20 =	rddreg [dreg:$0x1c];
	s30 =	sadd.s32 $0x1E8500, s24  }
0x7e: {  	[tilespmem:s28], [sflag:$0x1] =	stream.linear.gather [hbm4b:s30+s2], $0x400, $0x38;
	[tilespmem:$0x14200] =	vst v63  }
0x7f: {  	s31 =	rddreg [dreg:$0x1a];
	s15 =	sand.u32 $0xFFFFF80, s29;
	s14 =	sadd.s32 $0x2DC780, s24  }
0x80: {  	[tilespmem:s31], [sflag:$0x1] =	stream.linear.gather [hbm4b:s14+s2], $0x400, $0x38;
	[tilespmem:$0x14200] =	vst v63  }
0x81: {  	s17 =	rddreg [dreg:$0x1b];
	s19 =	sadd.s32 s1, s15  }
0x82: {  	[tilespmem:s17], [sflag:$0x1] =	stream.linear.gather [hbm4b:s19+s2], $0x400, $0x38;
	[tilespmem:$0x14200] =	vst v63  }
0x83: {  	s29 =	sld [smem:$0x7DB];
	s21 =	sadd.s32 $0xF4280, s19;
	s23 =	spop (v2sf)  }
0x84: {  	(v2sf) =	vpush v33, $0x9;
	[tilespmem:s20], [sflag:$0x1] =	stream.linear.gather [hbm4b:s21+s2], $0x400, $0x38;
	[tilespmem:$0x14200] =	vst v63  }
0x85: {  	s22 =	rddreg [dreg:$0x1d];
	s24 =	sadd.s32 $0x1E8500, s19  }
0x86: {  	[tilespmem:s22], [sflag:$0x1] =	stream.linear.gather [hbm4b:s24+s2], $0x400, $0x38;
	[tilespmem:$0x14200] =	vst v63  }
0x87: {  	s25 =	rddreg [dreg:$0x1e];
	s15 =	sand.u32 $0xFFFFF80, s23;
	s14 =	sadd.s32 $0x2DC780, s19  }
0x88: {  	[tilespmem:s25], [sflag:$0x1] =	stream.linear.gather [hbm4b:s14+s2], $0x400, $0x38;
	[tilespmem:$0x14200] =	vst v63  }
0x89: {  	s26 =	rddreg [dreg:$0x1f];
	s28 =	sadd.s32 s1, s15;
	s18 =	spop (v2sf)  }
0x8a: {  	(v2sf) =	vpush v33, $0xA;
	[tilespmem:s26], [sflag:$0x1] =	stream.linear.gather [hbm4b:s28+s2], $0x400, $0x38;
	[tilespmem:$0x14200] =	vst v63  }
0x8b: {  	s30 =	sadd.s32 $0xF4280, s28;
	s31 =	sld [smem:$0x7DC];
	s15 =	sand.u32 $0xFFFFF80, s18  }
0x8c: {  	[tilespmem:s29], [sflag:$0x1] =	stream.linear.gather [hbm4b:s30+s2], $0x400, $0x38;
	[tilespmem:$0x14200] =	vst v63  }
0x8d: {  	s19 =	sadd.s32 $0x1E8500, s28;
	s20 =	sld [smem:$0x7DD]  }
0x8e: {  	[tilespmem:s31], [sflag:$0x1] =	stream.linear.gather [hbm4b:s19+s2], $0x400, $0x38;
	[tilespmem:$0x14200] =	vst v63  }
0x8f: {  	s21 =	sld [smem:$0x7DE];
	s22 =	sadd.s32 s1, s15;
	s14 =	sadd.s32 $0x2DC780, s28  }
0x90: {  	[tilespmem:s20], [sflag:$0x1] =	stream.linear.gather [hbm4b:s14+s2], $0x400, $0x38;
	[tilespmem:$0x14200] =	vst v63  }
0x91: {  	s23 =	sld [smem:$0x7DF];
	s24 =	sadd.s32 $0xF4280, s22  }
0x92: {  	[tilespmem:s21], [sflag:$0x1] =	stream.linear.gather [hbm4b:s22+s2], $0x400, $0x38;
	[tilespmem:$0x14200] =	vst v63  }
0x93: {  	s25 =	sld [smem:$0x7E0];
	s28 =	sadd.s32 $0x1E8500, s22;
	s26 =	spop (v2sf)  }
0x94: {  	(v2sf) =	vpush v33, $0xB;
	[tilespmem:s23], [sflag:$0x1] =	stream.linear.gather [hbm4b:s24+s2], $0x400, $0x38;
	[tilespmem:$0x14200] =	vst v63  }
0x95: {  	s29 =	sld [smem:$0x7E1];
	s15 =	sand.u32 $0xFFFFF80, s26  }
0x96: {  	[tilespmem:s25], [sflag:$0x1] =	stream.linear.gather [hbm4b:s28+s2], $0x400, $0x38;
	[tilespmem:$0x14200] =	vst v63  }
0x97: {  	s30 =	sld [smem:$0x7E2];
	s14 =	sadd.s32 $0x2DC780, s22  }
0x98: {  	[tilespmem:s29], [sflag:$0x1] =	stream.linear.gather [hbm4b:s14+s2], $0x400, $0x38;
	[tilespmem:$0x14200] =	vst v63  }
0x99: {  	s17 =	sld [smem:$0x7E3];
	s31 =	sadd.s32 s1, s15;
	s20 =	spop (v2sf)  }
0x9a: {  	[tilespmem:s30], [sflag:$0x1] =	stream.linear.gather [hbm4b:s31+s2], $0x400, $0x38;
	[tilespmem:$0x14200] =	vst v63  }
0x9b: {  	s19 =	sld [smem:$0x7E4];
	s18 =	sadd.s32 $0xF4280, s31;
	s15 =	sand.u32 $0xFFFFF80, s20  }
0x9c: {  	(v2sf) =	vpush v33, $0xC;
	[tilespmem:s17], [sflag:$0x1] =	stream.linear.gather [hbm4b:s18+s2], $0x400, $0x38;
	[tilespmem:$0x14200] =	vst v63  }
0x9d: {  	s21 =	sadd.s32 $0x1E8500, s31;
	s22 =	sld [smem:$0x7E5]  }
0x9e: {  	[tilespmem:s19], [sflag:$0x1] =	stream.linear.gather [hbm4b:s21+s2], $0x400, $0x38;
	[tilespmem:$0x14200] =	vst v63  }
0x9f: {  	s23 =	sld [smem:$0x7E6];
	s24 =	sadd.s32 s1, s15;
	s14 =	sadd.s32 $0x2DC780, s31  }
0xa0: {  	[tilespmem:s22], [sflag:$0x1] =	stream.linear.gather [hbm4b:s14+s2], $0x400, $0x38;
	[tilespmem:$0x14200] =	vst v63  }
0xa1: {  	s26 =	sadd.s32 $0xF4280, s24;
	s25 =	sld [smem:$0x7E7]  }
0xa2: {  	[tilespmem:s23], [sflag:$0x1] =	stream.linear.gather [hbm4b:s24+s2], $0x400, $0x38;
	[tilespmem:$0x14200] =	vst v63  }
0xa3: {  	s28 =	sld [smem:$0x7E8];
	s29 =	spop (v2sf);
	s30 =	sadd.s32 $0x1E8500, s24  }
0xa4: {  	(v2sf) =	vpush v33, $0xD;
	[tilespmem:s25], [sflag:$0x1] =	stream.linear.gather [hbm4b:s26+s2], $0x400, $0x38;
	[tilespmem:$0x14200] =	vst v63  }
0xa5: {  	s31 =	sld [smem:$0x7E9];
	s15 =	sand.u32 $0xFFFFF80, s29  }
0xa6: {  	[tilespmem:s28], [sflag:$0x1] =	stream.linear.gather [hbm4b:s30+s2], $0x400, $0x38;
	[tilespmem:$0x14200] =	vst v63  }
0xa7: {  	s17 =	sld [smem:$0x7EA];
	s19 =	sadd.s32 s1, s15;
	s14 =	sadd.s32 $0x2DC780, s24  }
0xa8: {  	[tilespmem:s31], [sflag:$0x1] =	stream.linear.gather [hbm4b:s14+s2], $0x400, $0x38;
	[tilespmem:$0x14200] =	vst v63  }
0xa9: {  	s20 =	sld [smem:$0x7EB];
	s21 =	sadd.s32 $0xF4280, s19  }
0xaa: {  	[tilespmem:s17], [sflag:$0x1] =	stream.linear.gather [hbm4b:s19+s2], $0x400, $0x38;
	[tilespmem:$0x14200] =	vst v63  }
0xab: {  	s22 =	sld [smem:$0x7EC];
	s23 =	spop (v2sf);
	s24 =	sadd.s32 $0x1E8500, s19  }
0xac: {  	(v2sf) =	vpush v33, $0xE;
	[tilespmem:s20], [sflag:$0x1] =	stream.linear.gather [hbm4b:s21+s2], $0x400, $0x38;
	[tilespmem:$0x14200] =	vst v63  }
0xad: {  	s15 =	sand.u32 $0xFFFFF80, s23;
	s25 =	sld [smem:$0x7ED]  }
0xae: {  	[tilespmem:s22], [sflag:$0x1] =	stream.linear.gather [hbm4b:s24+s2], $0x400, $0x38;
	[tilespmem:$0x14200] =	vst v63  }
0xaf: {  	s26 =	sld [smem:$0x7EE];
	s28 =	sadd.s32 s1, s15;
	s14 =	sadd.s32 $0x2DC780, s19  }
0xb0: {  	[tilespmem:s25], [sflag:$0x1] =	stream.linear.gather [hbm4b:s14+s2], $0x400, $0x38;
	[tilespmem:$0x14200] =	vst v63  }
0xb1: {  	s29 =	sld [smem:$0x7EF];
	s30 =	sadd.s32 $0xF4280, s28  }
0xb2: {  	[tilespmem:s26], [sflag:$0x1] =	stream.linear.gather [hbm4b:s28+s2], $0x400, $0x38;
	[tilespmem:$0x14200] =	vst v63  }
0xb3: {  	s31 =	sld [smem:$0x7F0];
	s18 =	spop (v2sf);
	s19 =	sadd.s32 $0x1E8500, s28  }
0xb4: {  	(v2sf) =	vpush v33, $0xF;
	[tilespmem:s29], [sflag:$0x1] =	stream.linear.gather [hbm4b:s30+s2], $0x400, $0x38;
	[tilespmem:$0x14200] =	vst v63  }
0xb5: {  	s15 =	sand.u32 $0xFFFFF80, s18;
	s20 =	sld [smem:$0x7F1]  }
0xb6: {  	[tilespmem:s31], [sflag:$0x1] =	stream.linear.gather [hbm4b:s19+s2], $0x400, $0x38;
	[tilespmem:$0x14200] =	vst v63  }
0xb7: {  	s21 =	sld [smem:$0x7F2];
	s22 =	sadd.s32 s1, s15;
	s14 =	sadd.s32 $0x2DC780, s28  }
0xb8: {  	[tilespmem:s20], [sflag:$0x1] =	stream.linear.gather [hbm4b:s14+s2], $0x400, $0x38;
	[tilespmem:$0x14200] =	vst v63  }
0xb9: {  	s23 =	sld [smem:$0x7F3];
	s24 =	sadd.s32 $0xF4280, s22  }
0xba: {  	[tilespmem:s21], [sflag:$0x1] =	stream.linear.gather [hbm4b:s22+s2], $0x400, $0x38;
	[tilespmem:$0x14200] =	vst v63  }
0xbb: {  	s25 =	sld [smem:$0x7F4];
	s26 =	spop (v2sf);
	s28 =	sadd.s32 $0x1E8500, s22  }
0xbc: {  	[tilespmem:s23], [sflag:$0x1] =	stream.linear.gather [hbm4b:s24+s2], $0x400, $0x38;
	[tilespmem:$0x14200] =	vst v63  }
0xbd: {  	s15 =	sand.u32 $0xFFFFF80, s26;
	s29 =	sld [smem:$0x7F5]  }
0xbe: {  	[tilespmem:s25], [sflag:$0x1] =	stream.linear.gather [hbm4b:s28+s2], $0x400, $0x38;
	[tilespmem:$0x14200] =	vst v63  }
0xbf: {  	s30 =	sld [smem:$0x7F6];
	s31 =	sadd.s32 s1, s15;
	s14 =	sadd.s32 $0x2DC780, s22  }
0xc0: {  	[tilespmem:s29], [sflag:$0x1] =	stream.linear.gather [hbm4b:s14+s2], $0x400, $0x38;
	[tilespmem:$0x14200] =	vst v63  }
0xc1: {  	s18 =	sld [smem:$0x7F7];
	s19 =	sadd.s32 $0xF4280, s31  }
0xc2: {  	[tilespmem:s30], [sflag:$0x1] =	stream.linear.gather [hbm4b:s31+s2], $0x400, $0x38;
	[tilespmem:$0x14200] =	vst v63  }
0xc3: {  	s20 =	sld [smem:$0x7F8];
	s21 =	spop (v2sf);
	s22 =	sadd.s32 $0x1E8500, s31  }
0xc4: {  	[tilespmem:s18], [sflag:$0x1] =	stream.linear.gather [hbm4b:s19+s2], $0x400, $0x38;
	[tilespmem:$0x14200] =	vst v63  }
0xc5: {  	s15 =	sand.u32 $0xFFFFF80, s21;
	s23 =	sld [smem:$0x7F9]  }
0xc6: {  	[tilespmem:s20], [sflag:$0x1] =	stream.linear.gather [hbm4b:s22+s2], $0x400, $0x38;
	[tilespmem:$0x14200] =	vst v63  }
0xc7: {  	s24 =	sld [smem:$0x7FA];
	s14 =	sadd.s32 $0x2DC780, s31  }
0xc8: {  	[tilespmem:s23], [sflag:$0x1] =	stream.linear.gather [hbm4b:s14+s2], $0x400, $0x38;
	[tilespmem:$0x14200] =	vst v63  }
0xc9: {  	s26 =	sld [smem:$0x7FB];
	s25 =	sadd.s32 s1, s15  }
0xca: {  	[tilespmem:s24], [sflag:$0x1] =	stream.linear.gather [hbm4b:s25+s2], $0x400, $0x38;
	[tilespmem:$0x14200] =	vst v63  }
0xcb: {  	s28 =	sadd.s32 $0xF4280, s25;
	s29 =	sld [smem:$0x7FC]  }
0xcc: {  	[tilespmem:s26], [sflag:$0x1] =	stream.linear.gather [hbm4b:s28+s2], $0x400, $0x38;
	[tilespmem:$0x14200] =	vst v63  }
0xcd: {  	s30 =	sadd.s32 $0x1E8500, s25;
	s31 =	sld [smem:$0x7FD]  }
0xce: {  	v33 =	vand.u32 $0x7F, v33;
	[tilespmem:s29], [sflag:$0x1] =	stream.linear.gather [hbm4b:s30+s2], $0x400, $0x38;
	[tilespmem:$0x14200] =	vst v63  }
0xcf: {  	v34 =	vor.u32 v1, v33;
	s14 =	sadd.s32 $0x2DC780, s25  }
0xd0: {  	[tilespmem:s31], [sflag:$0x1] =	stream.linear.gather [hbm4b:s14+s2], $0x400, $0x38;
	[tilespmem:$0x14200] =	vst v63  }
0xd1: {  	v35 =	vmov s2;
	_ =	swait.ge [sflag:s9], $0x10000  }
0xd2: {  	v36 =	vor.u32 s2, v0;
	v35 =	vshll.u32 v35, $0x3;
	[sflag:s9] =	ssyncset.done $0x0  }
0xd3: {  	v36 =	vand.u32 $0x7F, v36;
	v37 =	vand.u32 $0xC00, v35;
	[sflag:s9] =	ssyncadd.s32 $0xFFFF0000  }
0xd4: {  	v37 =	vor.u32 v36, v37;
	v34 =	vld.idx.msk [tilespmem:v34+s8+$0x0], $0xffff  }
0xd5: {  	v38 =	vor.u32 v2, v33;
	_ =	sdelay $0x3  }
0xd6: {  	[tilespmem:v37+s10+$0x0] =	vst.idx.msk $0xffff, v34  }
0xd7: {  	v53 =	vor.u32 $0x80, v37;
	v34 =	vld.idx.msk [tilespmem:v38+s8+$0x0], $0xffff  }
0xd8: {  	v39 =	vor.u32 v3, v33;
	_ =	sdelay $0x3  }
0xd9: {  	[tilespmem:v53+s10+$0x0] =	vst.idx.msk $0xffff, v34  }
0xda: {  	v54 =	vor.u32 $0x100, v37;
	v34 =	vld.idx.msk [tilespmem:v39+s8+$0x0], $0xffff  }
0xdb: {  	v55 =	vor.u32 v4, v33;
	_ =	sdelay $0x3  }
0xdc: {  	[tilespmem:v54+s10+$0x0] =	vst.idx.msk $0xffff, v34  }
0xdd: {  	v56 =	vor.u32 $0x180, v37;
	v34 =	vld.idx.msk [tilespmem:v55+s8+$0x0], $0xffff  }
0xde: {  	v57 =	vor.u32 v5, v33;
	_ =	sdelay $0x3  }
0xdf: {  	[tilespmem:v56+s10+$0x0] =	vst.idx.msk $0xffff, v34  }
0xe0: {  	v58 =	vor.u32 $0x200, v37;
	v34 =	vld.idx.msk [tilespmem:v57+s8+$0x0], $0xffff  }
0xe1: {  	v59 =	vor.u32 v6, v33;
	_ =	sdelay $0x3  }
0xe2: {  	[tilespmem:v58+s10+$0x0] =	vst.idx.msk $0xffff, v34  }
0xe3: {  	v60 =	vor.u32 $0x280, v37;
	v34 =	vld.idx.msk [tilespmem:v59+s8+$0x0], $0xffff  }
0xe4: {  	v61 =	vor.u32 v7, v33;
	_ =	sdelay $0x3  }
0xe5: {  	[tilespmem:v60+s10+$0x0] =	vst.idx.msk $0xffff, v34  }
0xe6: {  	v62 =	vor.u32 $0x300, v37;
	v34 =	vld.idx.msk [tilespmem:v61+s8+$0x0], $0xffff  }
0xe7: {  	v63 =	vor.u32 v8, v33;
	_ =	sdelay $0x3  }
0xe8: {  	[tilespmem:v62+s10+$0x0] =	vst.idx.msk $0xffff, v34;
	v34 =	vor.u32 v35, v36  }
0xe9: {  	v41 =	vld.idx.msk [tilespmem:v63+s8+$0x0], $0xffff;
	v36 =	vor.u32 $0x380, v34  }
0xea: {  	v42 =	vor.u32 v9, v33;
	_ =	sdelay $0x3  }
0xeb: {  	[tilespmem:v36+s10+$0x0] =	vst.idx.msk $0xffff, v41  }
0xec: {  	v43 =	vor.u32 $0x1000, v37;
	v35 =	vld.idx.msk [tilespmem:v42+s8+$0x0], $0xffff  }
0xed: {  	v44 =	vor.u32 v10, v33;
	_ =	sdelay $0x3  }
0xee: {  	[tilespmem:v43+s10+$0x0] =	vst.idx.msk $0xffff, v35  }
0xef: {  	v45 =	vor.u32 $0x1080, v37;
	v35 =	vld.idx.msk [tilespmem:v44+s8+$0x0], $0xffff  }
0xf0: {  	v46 =	vor.u32 v11, v33;
	_ =	sdelay $0x3  }
0xf1: {  	[tilespmem:v45+s10+$0x0] =	vst.idx.msk $0xffff, v35  }
0xf2: {  	v47 =	vor.u32 $0x1100, v37;
	v35 =	vld.idx.msk [tilespmem:v46+s8+$0x0], $0xffff  }
0xf3: {  	v48 =	vor.u32 v12, v33;
	_ =	sdelay $0x3  }
0xf4: {  	[tilespmem:v47+s10+$0x0] =	vst.idx.msk $0xffff, v35  }
0xf5: {  	v49 =	vor.u32 $0x1180, v37;
	v35 =	vld.idx.msk [tilespmem:v48+s8+$0x0], $0xffff  }
0xf6: {  	v50 =	vor.u32 v13, v33;
	_ =	sdelay $0x3  }
0xf7: {  	[tilespmem:v49+s10+$0x0] =	vst.idx.msk $0xffff, v35  }
0xf8: {  	v51 =	vor.u32 $0x1200, v37;
	v35 =	vld.idx.msk [tilespmem:v50+s8+$0x0], $0xffff  }
0xf9: {  	v52 =	vor.u32 v14, v33;
	_ =	sdelay $0x3  }
0xfa: {  	[tilespmem:v51+s10+$0x0] =	vst.idx.msk $0xffff, v35  }
0xfb: {  	v53 =	vor.u32 $0x1280, v37;
	v35 =	vld.idx.msk [tilespmem:v52+s8+$0x0], $0xffff  }
0xfc: {  	v54 =	vor.u32 v15, v33;
	_ =	sdelay $0x3  }
0xfd: {  	[tilespmem:v53+s10+$0x0] =	vst.idx.msk $0xffff, v35  }
0xfe: {  	v55 =	vor.u32 $0x1300, v37;
	v35 =	vld.idx.msk [tilespmem:v54+s8+$0x0], $0xffff  }
0xff: {  	v56 =	vor.u32 v16, v33;
	_ =	sdelay $0x3  }
0x100: {  	[tilespmem:v55+s10+$0x0] =	vst.idx.msk $0xffff, v35  }
0x101: {  	v57 =	vor.u32 $0x1380, v34;
	v35 =	vld.idx.msk [tilespmem:v56+s8+$0x0], $0xffff  }
0x102: {  	v58 =	vor.u32 v17, v33;
	_ =	sdelay $0x3  }
0x103: {  	[tilespmem:v57+s10+$0x0] =	vst.idx.msk $0xffff, v35  }
0x104: {  	v59 =	vor.u32 $0x2000, v37;
	v35 =	vld.idx.msk [tilespmem:v58+s8+$0x0], $0xffff  }
0x105: {  	v60 =	vor.u32 v18, v33;
	_ =	sdelay $0x3  }
0x106: {  	[tilespmem:v59+s10+$0x0] =	vst.idx.msk $0xffff, v35  }
0x107: {  	v61 =	vor.u32 $0x2080, v37;
	v35 =	vld.idx.msk [tilespmem:v60+s8+$0x0], $0xffff  }
0x108: {  	v62 =	vor.u32 v19, v33;
	_ =	sdelay $0x3  }
0x109: {  	[tilespmem:v61+s10+$0x0] =	vst.idx.msk $0xffff, v35  }
0x10a: {  	v63 =	vor.u32 $0x2100, v37;
	v35 =	vld.idx.msk [tilespmem:v62+s8+$0x0], $0xffff  }
0x10b: {  	v40 =	vor.u32 v20, v33;
	_ =	sdelay $0x3  }
0x10c: {  	[tilespmem:v63+s10+$0x0] =	vst.idx.msk $0xffff, v35  }
0x10d: {  	v41 =	vor.u32 $0x2180, v37;
	v35 =	vld.idx.msk [tilespmem:v40+s8+$0x0], $0xffff  }
0x10e: {  	v42 =	vor.u32 v21, v33;
	_ =	sdelay $0x3  }
0x10f: {  	[tilespmem:v41+s10+$0x0] =	vst.idx.msk $0xffff, v35  }
0x110: {  	v43 =	vor.u32 $0x2200, v37;
	v35 =	vld.idx.msk [tilespmem:v42+s8+$0x0], $0xffff  }
0x111: {  	v44 =	vor.u32 v22, v33;
	_ =	sdelay $0x3  }
0x112: {  	[tilespmem:v43+s10+$0x0] =	vst.idx.msk $0xffff, v35  }
0x113: {  	v45 =	vor.u32 $0x2280, v37;
	v35 =	vld.idx.msk [tilespmem:v44+s8+$0x0], $0xffff  }
0x114: {  	v46 =	vor.u32 v23, v33;
	_ =	sdelay $0x3  }
0x115: {  	[tilespmem:v45+s10+$0x0] =	vst.idx.msk $0xffff, v35  }
0x116: {  	v47 =	vor.u32 $0x2300, v37;
	v35 =	vld.idx.msk [tilespmem:v46+s8+$0x0], $0xffff  }
0x117: {  	v48 =	vor.u32 v24, v33;
	_ =	sdelay $0x3  }
0x118: {  	[tilespmem:v47+s10+$0x0] =	vst.idx.msk $0xffff, v35  }
0x119: {  	v49 =	vor.u32 $0x2380, v34;
	v35 =	vld.idx.msk [tilespmem:v48+s8+$0x0], $0xffff  }
0x11a: {  	v50 =	vor.u32 v25, v33;
	_ =	sdelay $0x3  }
0x11b: {  	[tilespmem:v49+s10+$0x0] =	vst.idx.msk $0xffff, v35  }
0x11c: {  	v51 =	vor.u32 $0x3000, v37;
	v35 =	vld.idx.msk [tilespmem:v50+s8+$0x0], $0xffff  }
0x11d: {  	v52 =	vor.u32 v26, v33;
	_ =	sdelay $0x3  }
0x11e: {  	[tilespmem:v51+s10+$0x0] =	vst.idx.msk $0xffff, v35  }
0x11f: {  	v53 =	vor.u32 $0x3080, v37;
	v35 =	vld.idx.msk [tilespmem:v52+s8+$0x0], $0xffff  }
0x120: {  	v54 =	vor.u32 v27, v33;
	_ =	sdelay $0x3  }
0x121: {  	[tilespmem:v53+s10+$0x0] =	vst.idx.msk $0xffff, v35  }
0x122: {  	v55 =	vor.u32 $0x3100, v37;
	v35 =	vld.idx.msk [tilespmem:v54+s8+$0x0], $0xffff  }
0x123: {  	v56 =	vor.u32 v28, v33;
	_ =	sdelay $0x3  }
0x124: {  	[tilespmem:v55+s10+$0x0] =	vst.idx.msk $0xffff, v35  }
0x125: {  	v57 =	vor.u32 $0x3180, v37;
	v35 =	vld.idx.msk [tilespmem:v56+s8+$0x0], $0xffff  }
0x126: {  	v58 =	vor.u32 v29, v33;
	_ =	sdelay $0x3  }
0x127: {  	[tilespmem:v57+s10+$0x0] =	vst.idx.msk $0xffff, v35  }
0x128: {  	v59 =	vor.u32 $0x3200, v37;
	v35 =	vld.idx.msk [tilespmem:v58+s8+$0x0], $0xffff  }
0x129: {  	v60 =	vor.u32 v30, v33;
	_ =	sdelay $0x3  }
0x12a: {  	[tilespmem:v59+s10+$0x0] =	vst.idx.msk $0xffff, v35  }
0x12b: {  	v61 =	vor.u32 $0x3280, v37;
	v35 =	vld.idx.msk [tilespmem:v60+s8+$0x0], $0xffff  }
0x12c: {  	v62 =	vor.u32 v31, v33;
	_ =	sdelay $0x3  }
0x12d: {  	[tilespmem:v61+s10+$0x0] =	vst.idx.msk $0xffff, v35  }
0x12e: {  	v63 =	vor.u32 $0x3300, v37;
	v35 =	vld.idx.msk [tilespmem:v62+s8+$0x0], $0xffff  }
0x12f: {  	v33 =	vor.u32 v32, v33;
	_ =	sdelay $0x3  }
0x130: {  	[tilespmem:v63+s10+$0x0] =	vst.idx.msk $0xffff, v35  }
0x131: {  	s15 =	simm.s32 $0x0;
	s14 =	simm.s32 $0x10;
	v34 =	vor.u32 $0x3380, v34;
	v33 =	vld.idx.msk [tilespmem:v33+s8+$0x0], $0xffff  }
.LBB2_2:
0x132: {  	_ =	sdelay $0x3  }
0x133: {  	s15 =	sadd.s32 $0x10, s15;
	[tilespmem:v34+s10+$0x0] =	vst.idx.msk $0xffff, v33  }
0x134: {  	v34 =	vld [tilespmem:s15+$0x0];
	_ =	sdelay $0x4  }
0x135: {  	(v2sf) =	vpush v34, $0x0;
	_ =	sdelay $0x1  }
0x136: {  	(v2sf) =	vpush v34, $0x1;
	_ =	sdelay $0x1  }
0x137: {  	(v2sf) =	vpush v34, $0x2;
	_ =	sdelay $0x1  }
0x138: {  	(v2sf) =	vpush v34, $0x3;
	_ =	sdelay $0x3  }
0x139: {  	(v2sf) =	vpush v34, $0x4;
	_ =	sdelay $0x3  }
0x13a: {  	(v2sf) =	vpush v34, $0x5  }
0x13b: {  	s17 =	rddreg [dreg:$0x5];
	s18 =	spop (v2sf)  }
0x13c: {  	s19 =	rddreg [dreg:$0x4];
	s18 =	sand.u32 $0xFFFFF80, s18  }
0x13d: {  	s26 =	rddreg [dreg:$0x6];
	s20 =	spop (v2sf);
	s18 =	sadd.s32 s1, s18  }
0x13e: {  	(v2sf) =	vpush v34, $0x6;
	[tilespmem:s8], [sflag:$0x1] =	stream.linear.gather [hbm4b:s18+s2], $0x400, $0x38;
	[tilespmem:$0x14200] =	vst v63  }
0x13f: {  	s29 =	rddreg [dreg:$0x7];
	s23 =	spop (v2sf);
	s22 =	sadd.s32 $0xF4280, s18  }
0x140: {  	[tilespmem:s19], [sflag:$0x1] =	stream.linear.gather [hbm4b:s22+s2], $0x400, $0x38;
	[tilespmem:$0x14200] =	vst v63  }
0x141: {  	s21 =	sand.u32 $0xFFFFF80, s20;
	s24 =	spop (v2sf);
	s25 =	sadd.s32 $0x1E8500, s18  }
0x142: {  	(v2sf) =	vpush v34, $0x7;
	[tilespmem:s17], [sflag:$0x1] =	stream.linear.gather [hbm4b:s25+s2], $0x400, $0x38;
	[tilespmem:$0x14200] =	vst v63  }
0x143: {  	s23 =	sand.u32 $0xFFFFF80, s23;
	s28 =	sadd.s32 $0x2DC780, s18;
	s31 =	sadd.s32 s1, s21  }
0x144: {  	[tilespmem:s26], [sflag:$0x1] =	stream.linear.gather [hbm4b:s28+s2], $0x400, $0x38;
	[tilespmem:$0x14200] =	vst v63  }
0x145: {  	s20 =	sand.u32 $0xFFFFF80, s24;
	s30 =	spop (v2sf);
	s25 =	rddreg [dreg:$0xa]  }
0x146: {  	(v2sf) =	vpush v34, $0x8;
	[tilespmem:s29], [sflag:$0x1] =	stream.linear.gather [hbm4b:s31+s2], $0x400, $0x38;
	[tilespmem:$0x14200] =	vst v63  }
0x147: {  	s19 =	sand.u32 $0xFFFFF80, s30;
	s26 =	rddreg [dreg:$0x8];
	s28 =	sadd.s32 $0xF4280, s31  }
0x148: {  	[tilespmem:s26], [sflag:$0x1] =	stream.linear.gather [hbm4b:s28+s2], $0x400, $0x38;
	[tilespmem:$0x14200] =	vst v63  }
0x149: {  	s24 =	spop (v2sf);
	s30 =	sadd.s32 $0x1E8500, s31;
	s29 =	rddreg [dreg:$0x9]  }
0x14a: {  	(v2sf) =	vpush v34, $0x9;
	[tilespmem:s29], [sflag:$0x1] =	stream.linear.gather [hbm4b:s30+s2], $0x400, $0x38;
	[tilespmem:$0x14200] =	vst v63  }
0x14b: {  	s23 =	sadd.s32 s1, s23;
	s17 =	sadd.s32 $0x2DC780, s31;
	s31 =	rddreg [dreg:$0xb]  }
0x14c: {  	[tilespmem:s25], [sflag:$0x1] =	stream.linear.gather [hbm4b:s17+s2], $0x400, $0x38;
	[tilespmem:$0x14200] =	vst v63  }
0x14d: {  	s18 =	sand.u32 $0xFFFFF80, s24;
	s28 =	rddreg [dreg:$0xd];
	s24 =	spop (v2sf)  }
0x14e: {  	(v2sf) =	vpush v34, $0xA;
	[tilespmem:s31], [sflag:$0x1] =	stream.linear.gather [hbm4b:s23+s2], $0x400, $0x38;
	[tilespmem:$0x14200] =	vst v63  }
0x14f: {  	s20 =	sadd.s32 s1, s20;
	s26 =	sadd.s32 $0xF4280, s23;
	s25 =	rddreg [dreg:$0xc]  }
0x150: {  	[tilespmem:s25], [sflag:$0x1] =	stream.linear.gather [hbm4b:s26+s2], $0x400, $0x38;
	[tilespmem:$0x14200] =	vst v63  }
0x151: {  	s30 =	sadd.s32 $0x1E8500, s23;
	s29 =	spop (v2sf);
	s31 =	rddreg [dreg:$0xe]  }
0x152: {  	(v2sf) =	vpush v34, $0xB;
	[tilespmem:s28], [sflag:$0x1] =	stream.linear.gather [hbm4b:s30+s2], $0x400, $0x38;
	[tilespmem:$0x14200] =	vst v63  }
0x153: {  	s17 =	sand.u32 $0xFFFFF80, s24;
	s23 =	sadd.s32 $0x2DC780, s23;
	s26 =	rddreg [dreg:$0xf]  }
0x154: {  	[tilespmem:s31], [sflag:$0x1] =	stream.linear.gather [hbm4b:s23+s2], $0x400, $0x38;
	[tilespmem:$0x14200] =	vst v63  }
0x155: {  	s25 =	sand.u32 $0xFFFFF80, s29;
	s29 =	rddreg [dreg:$0x10];
	s28 =	spop (v2sf)  }
0x156: {  	(v2sf) =	vpush v34, $0xC;
	[tilespmem:s26], [sflag:$0x1] =	stream.linear.gather [hbm4b:s20+s2], $0x400, $0x38;
	[tilespmem:$0x14200] =	vst v63  }
0x157: {  	s30 =	sadd.s32 $0xF4280, s20;
	s24 =	sand.u32 $0xFFFFF80, s28;
	s28 =	rddreg [dreg:$0x12]  }
0x158: {  	[tilespmem:s29], [sflag:$0x1] =	stream.linear.gather [hbm4b:s30+s2], $0x400, $0x38;
	[tilespmem:$0x14200] =	vst v63  }
0x159: {  	s22 =	sadd.s32 $0x1E8500, s20;
	s31 =	spop (v2sf);
	s26 =	rddreg [dreg:$0x11]  }
0x15a: {  	(v2sf) =	vpush v34, $0xD;
	[tilespmem:s26], [sflag:$0x1] =	stream.linear.gather [hbm4b:s22+s2], $0x400, $0x38;
	[tilespmem:$0x14200] =	vst v63  }
0x15b: {  	s23 =	sand.u32 $0xFFFFF80, s31;
	s31 =	rddreg [dreg:$0x14];
	s20 =	sadd.s32 $0x2DC780, s20  }
0x15c: {  	[tilespmem:s28], [sflag:$0x1] =	stream.linear.gather [hbm4b:s20+s2], $0x400, $0x38;
	[tilespmem:$0x14200] =	vst v63  }
0x15d: {  	s19 =	sadd.s32 s1, s19;
	s29 =	rddreg [dreg:$0x13];
	s30 =	spop (v2sf)  }
0x15e: {  	(v2sf) =	vpush v34, $0xE;
	[tilespmem:s29], [sflag:$0x1] =	stream.linear.gather [hbm4b:s19+s2], $0x400, $0x38;
	[tilespmem:$0x14200] =	vst v63  }
0x15f: {  	s26 =	rddreg [dreg:$0x1b];
	s22 =	sand.u32 $0xFFFFF80, s30;
	s29 =	sadd.s32 $0xF4280, s19  }
0x160: {  	[tilespmem:s31], [sflag:$0x1] =	stream.linear.gather [hbm4b:s29+s2], $0x400, $0x38;
	[tilespmem:$0x14200] =	vst v63  }
0x161: {  	s30 =	rddreg [dreg:$0x15];
	s28 =	spop (v2sf);
	s31 =	sadd.s32 $0x1E8500, s19  }
0x162: {  	(v2sf) =	vpush v34, $0xF;
	[tilespmem:s30], [sflag:$0x1] =	stream.linear.gather [hbm4b:s31+s2], $0x400, $0x38;
	[tilespmem:$0x14200] =	vst v63  }
0x163: {  	s18 =	sadd.s32 s1, s18;
	s29 =	rddreg [dreg:$0x16];
	s19 =	sadd.s32 $0x2DC780, s19  }
0x164: {  	[tilespmem:s29], [sflag:$0x1] =	stream.linear.gather [hbm4b:s19+s2], $0x400, $0x38;
	[tilespmem:$0x14200] =	vst v63  }
0x165: {  	s21 =	sand.u32 $0xFFFFF80, s28;
	s28 =	rddreg [dreg:$0x17];
	s30 =	spop (v2sf)  }
0x166: {  	[tilespmem:s28], [sflag:$0x1] =	stream.linear.gather [hbm4b:s18+s2], $0x400, $0x38;
	[tilespmem:$0x14200] =	vst v63  }
0x167: {  	s31 =	rddreg [dreg:$0x18];
	s20 =	sand.u32 $0xFFFFF80, s30;
	s30 =	sadd.s32 $0xF4280, s18  }
0x168: {  	[tilespmem:s31], [sflag:$0x1] =	stream.linear.gather [hbm4b:s30+s2], $0x400, $0x38;
	[tilespmem:$0x14200] =	vst v63  }
0x169: {  	s29 =	spop (v2sf);
	s28 =	rddreg [dreg:$0x19];
	s31 =	sadd.s32 $0x1E8500, s18  }
0x16a: {  	[tilespmem:s28], [sflag:$0x1] =	stream.linear.gather [hbm4b:s31+s2], $0x400, $0x38;
	[tilespmem:$0x14200] =	vst v63  }
0x16b: {  	s19 =	sand.u32 $0xFFFFF80, s29;
	s30 =	rddreg [dreg:$0x1a];
	s18 =	sadd.s32 $0x2DC780, s18  }
0x16c: {  	[tilespmem:s30], [sflag:$0x1] =	stream.linear.gather [hbm4b:s18+s2], $0x400, $0x38;
	[tilespmem:$0x14200] =	vst v63  }
0x16d: {  	s29 =	sadd.s32 s1, s17;
	s17 =	rddreg [dreg:$0x1c];
	s31 =	spop (v2sf)  }
0x16e: {  	[tilespmem:s26], [sflag:$0x1] =	stream.linear.gather [hbm4b:s29+s2], $0x400, $0x38;
	[tilespmem:$0x14200] =	vst v63  }
0x16f: {  	s28 =	rddreg [dreg:$0x1d];
	s18 =	sand.u32 $0xFFFFF80, s31;
	s31 =	sadd.s32 $0xF4280, s29  }
0x170: {  	[tilespmem:s17], [sflag:$0x1] =	stream.linear.gather [hbm4b:s31+s2], $0x400, $0x38;
	[tilespmem:$0x14200] =	vst v63  }
0x171: {  	s30 =	spop (v2sf);
	s26 =	sadd.s32 $0x1E8500, s29;
	s31 =	rddreg [dreg:$0x1e]  }
0x172: {  	[tilespmem:s28], [sflag:$0x1] =	stream.linear.gather [hbm4b:s26+s2], $0x400, $0x38;
	[tilespmem:$0x14200] =	vst v63  }
0x173: {  	s29 =	sadd.s32 $0x2DC780, s29;
	s17 =	sand.u32 $0xFFFFF80, s30;
	s30 =	rddreg [dreg:$0x1f]  }
0x174: {  	[tilespmem:s31], [sflag:$0x1] =	stream.linear.gather [hbm4b:s29+s2], $0x400, $0x38;
	[tilespmem:$0x14200] =	vst v63  }
0x175: {  	s25 =	sadd.s32 s1, s25;
	s31 =	sld [smem:$0x7DB]  }
0x176: {  	[tilespmem:s30], [sflag:$0x1] =	stream.linear.gather [hbm4b:s25+s2], $0x400, $0x38;
	[tilespmem:$0x14200] =	vst v63  }
0x177: {  	s29 =	sld [smem:$0x7DC];
	s30 =	sadd.s32 $0xF4280, s25  }
0x178: {  	[tilespmem:s31], [sflag:$0x1] =	stream.linear.gather [hbm4b:s30+s2], $0x400, $0x38;
	[tilespmem:$0x14200] =	vst v63  }
0x179: {  	s31 =	sadd.s32 $0x1E8500, s25;
	s30 =	sld [smem:$0x7DD]  }
0x17a: {  	[tilespmem:s29], [sflag:$0x1] =	stream.linear.gather [hbm4b:s31+s2], $0x400, $0x38;
	[tilespmem:$0x14200] =	vst v63  }
0x17b: {  	s25 =	sadd.s32 $0x2DC780, s25;
	s31 =	sld [smem:$0x7DE]  }
0x17c: {  	[tilespmem:s30], [sflag:$0x1] =	stream.linear.gather [hbm4b:s25+s2], $0x400, $0x38;
	[tilespmem:$0x14200] =	vst v63  }
0x17d: {  	s24 =	sadd.s32 s1, s24;
	s29 =	sld [smem:$0x7DF]  }
0x17e: {  	[tilespmem:s31], [sflag:$0x1] =	stream.linear.gather [hbm4b:s24+s2], $0x400, $0x38;
	[tilespmem:$0x14200] =	vst v63  }
0x17f: {  	s30 =	sadd.s32 $0xF4280, s24;
	s31 =	sld [smem:$0x7E0]  }
0x180: {  	[tilespmem:s29], [sflag:$0x1] =	stream.linear.gather [hbm4b:s30+s2], $0x400, $0x38;
	[tilespmem:$0x14200] =	vst v63  }
0x181: {  	s26 =	sadd.s32 $0x1E8500, s24;
	s29 =	sld [smem:$0x7E1]  }
0x182: {  	[tilespmem:s31], [sflag:$0x1] =	stream.linear.gather [hbm4b:s26+s2], $0x400, $0x38;
	[tilespmem:$0x14200] =	vst v63  }
0x183: {  	s24 =	sadd.s32 $0x2DC780, s24;
	s30 =	sld [smem:$0x7E2]  }
0x184: {  	[tilespmem:s29], [sflag:$0x1] =	stream.linear.gather [hbm4b:s24+s2], $0x400, $0x38;
	[tilespmem:$0x14200] =	vst v63  }
0x185: {  	s23 =	sadd.s32 s1, s23;
	s31 =	sld [smem:$0x7E3]  }
0x186: {  	[tilespmem:s30], [sflag:$0x1] =	stream.linear.gather [hbm4b:s23+s2], $0x400, $0x38;
	[tilespmem:$0x14200] =	vst v63  }
0x187: {  	s28 =	sld [smem:$0x7E4];
	s26 =	sadd.s32 $0xF4280, s23  }
0x188: {  	[tilespmem:s31], [sflag:$0x1] =	stream.linear.gather [hbm4b:s26+s2], $0x400, $0x38;
	[tilespmem:$0x14200] =	vst v63  }
0x189: {  	s29 =	sadd.s32 $0x1E8500, s23;
	s30 =	sld [smem:$0x7E5]  }
0x18a: {  	[tilespmem:s28], [sflag:$0x1] =	stream.linear.gather [hbm4b:s29+s2], $0x400, $0x38;
	[tilespmem:$0x14200] =	vst v63  }
0x18b: {  	s23 =	sadd.s32 $0x2DC780, s23;
	s31 =	sld [smem:$0x7E6]  }
0x18c: {  	[tilespmem:s30], [sflag:$0x1] =	stream.linear.gather [hbm4b:s23+s2], $0x400, $0x38;
	[tilespmem:$0x14200] =	vst v63  }
0x18d: {  	s22 =	sadd.s32 s1, s22;
	s26 =	sld [smem:$0x7E7]  }
0x18e: {  	[tilespmem:s31], [sflag:$0x1] =	stream.linear.gather [hbm4b:s22+s2], $0x400, $0x38;
	[tilespmem:$0x14200] =	vst v63  }
0x18f: {  	s28 =	sadd.s32 $0xF4280, s22;
	s29 =	sld [smem:$0x7E8]  }
0x190: {  	[tilespmem:s26], [sflag:$0x1] =	stream.linear.gather [hbm4b:s28+s2], $0x400, $0x38;
	[tilespmem:$0x14200] =	vst v63  }
0x191: {  	s30 =	sadd.s32 $0x1E8500, s22;
	s31 =	sld [smem:$0x7E9]  }
0x192: {  	[tilespmem:s29], [sflag:$0x1] =	stream.linear.gather [hbm4b:s30+s2], $0x400, $0x38;
	[tilespmem:$0x14200] =	vst v63  }
0x193: {  	s25 =	sld [smem:$0x7EA];
	s22 =	sadd.s32 $0x2DC780, s22  }
0x194: {  	[tilespmem:s31], [sflag:$0x1] =	stream.linear.gather [hbm4b:s22+s2], $0x400, $0x38;
	[tilespmem:$0x14200] =	vst v63  }
0x195: {  	s21 =	sadd.s32 s1, s21;
	s26 =	sld [smem:$0x7EB]  }
0x196: {  	[tilespmem:s25], [sflag:$0x1] =	stream.linear.gather [hbm4b:s21+s2], $0x400, $0x38;
	[tilespmem:$0x14200] =	vst v63  }
0x197: {  	s28 =	sadd.s32 $0xF4280, s21;
	s29 =	sld [smem:$0x7EC]  }
0x198: {  	[tilespmem:s26], [sflag:$0x1] =	stream.linear.gather [hbm4b:s28+s2], $0x400, $0x38;
	[tilespmem:$0x14200] =	vst v63  }
0x199: {  	s30 =	sadd.s32 $0x1E8500, s21;
	s31 =	sld [smem:$0x7ED]  }
0x19a: {  	[tilespmem:s29], [sflag:$0x1] =	stream.linear.gather [hbm4b:s30+s2], $0x400, $0x38;
	[tilespmem:$0x14200] =	vst v63  }
0x19b: {  	s21 =	sadd.s32 $0x2DC780, s21;
	s25 =	sld [smem:$0x7EE]  }
0x19c: {  	[tilespmem:s31], [sflag:$0x1] =	stream.linear.gather [hbm4b:s21+s2], $0x400, $0x38;
	[tilespmem:$0x14200] =	vst v63  }
0x19d: {  	s20 =	sadd.s32 s1, s20;
	s26 =	sld [smem:$0x7EF]  }
0x19e: {  	[tilespmem:s25], [sflag:$0x1] =	stream.linear.gather [hbm4b:s20+s2], $0x400, $0x38;
	[tilespmem:$0x14200] =	vst v63  }
0x19f: {  	s28 =	sadd.s32 $0xF4280, s20;
	s29 =	sld [smem:$0x7F0]  }
0x1a0: {  	[tilespmem:s26], [sflag:$0x1] =	stream.linear.gather [hbm4b:s28+s2], $0x400, $0x38;
	[tilespmem:$0x14200] =	vst v63  }
0x1a1: {  	s30 =	sadd.s32 $0x1E8500, s20;
	s31 =	sld [smem:$0x7F1]  }
0x1a2: {  	[tilespmem:s29], [sflag:$0x1] =	stream.linear.gather [hbm4b:s30+s2], $0x400, $0x38;
	[tilespmem:$0x14200] =	vst v63  }
0x1a3: {  	s23 =	sld [smem:$0x7F2];
	s20 =	sadd.s32 $0x2DC780, s20  }
0x1a4: {  	[tilespmem:s31], [sflag:$0x1] =	stream.linear.gather [hbm4b:s20+s2], $0x400, $0x38;
	[tilespmem:$0x14200] =	vst v63  }
0x1a5: {  	s19 =	sadd.s32 s1, s19;
	s24 =	sld [smem:$0x7F3]  }
0x1a6: {  	[tilespmem:s23], [sflag:$0x1] =	stream.linear.gather [hbm4b:s19+s2], $0x400, $0x38;
	[tilespmem:$0x14200] =	vst v63  }
0x1a7: {  	s25 =	sadd.s32 $0xF4280, s19;
	s26 =	sld [smem:$0x7F4]  }
0x1a8: {  	[tilespmem:s24], [sflag:$0x1] =	stream.linear.gather [hbm4b:s25+s2], $0x400, $0x38;
	[tilespmem:$0x14200] =	vst v63  }
0x1a9: {  	s28 =	sadd.s32 $0x1E8500, s19;
	s29 =	sld [smem:$0x7F5]  }
0x1aa: {  	[tilespmem:s26], [sflag:$0x1] =	stream.linear.gather [hbm4b:s28+s2], $0x400, $0x38;
	[tilespmem:$0x14200] =	vst v63  }
0x1ab: {  	s30 =	sld [smem:$0x7F6];
	s19 =	sadd.s32 $0x2DC780, s19  }
0x1ac: {  	[tilespmem:s29], [sflag:$0x1] =	stream.linear.gather [hbm4b:s19+s2], $0x400, $0x38;
	[tilespmem:$0x14200] =	vst v63  }
0x1ad: {  	s18 =	sadd.s32 s1, s18;
	s31 =	sld [smem:$0x7F7]  }
0x1ae: {  	[tilespmem:s30], [sflag:$0x1] =	stream.linear.gather [hbm4b:s18+s2], $0x400, $0x38;
	[tilespmem:$0x14200] =	vst v63  }
0x1af: {  	s22 =	sld [smem:$0x7F8];
	s21 =	sadd.s32 $0xF4280, s18  }
0x1b0: {  	[tilespmem:s31], [sflag:$0x1] =	stream.linear.gather [hbm4b:s21+s2], $0x400, $0x38;
	[tilespmem:$0x14200] =	vst v63  }
0x1b1: {  	s23 =	sadd.s32 $0x1E8500, s18;
	s24 =	sld [smem:$0x7F9]  }
0x1b2: {  	[tilespmem:s22], [sflag:$0x1] =	stream.linear.gather [hbm4b:s23+s2], $0x400, $0x38;
	[tilespmem:$0x14200] =	vst v63  }
0x1b3: {  	s25 =	sld [smem:$0x7FA];
	s18 =	sadd.s32 $0x2DC780, s18  }
0x1b4: {  	[tilespmem:s24], [sflag:$0x1] =	stream.linear.gather [hbm4b:s18+s2], $0x400, $0x38;
	[tilespmem:$0x14200] =	vst v63  }
0x1b5: {  	s17 =	sadd.s32 s1, s17;
	s26 =	sld [smem:$0x7FB]  }
0x1b6: {  	[tilespmem:s25], [sflag:$0x1] =	stream.linear.gather [hbm4b:s17+s2], $0x400, $0x38;
	[tilespmem:$0x14200] =	vst v63  }
0x1b7: {  	s28 =	sadd.s32 $0xF4280, s17;
	s29 =	sld [smem:$0x7FC]  }
0x1b8: {  	[tilespmem:s26], [sflag:$0x1] =	stream.linear.gather [hbm4b:s28+s2], $0x400, $0x38;
	[tilespmem:$0x14200] =	vst v63  }
0x1b9: {  	s30 =	sadd.s32 $0x1E8500, s17;
	s31 =	sld [smem:$0x7FD]  }
0x1ba: {  	v33 =	vand.u32 $0x7F, v34;
	[tilespmem:s29], [sflag:$0x1] =	stream.linear.gather [hbm4b:s30+s2], $0x400, $0x38;
	[tilespmem:$0x14200] =	vst v63  }
0x1bb: {  	s16 =	smov.u32 s14;
	v52 =	vor.u32 v1, v33;
	s17 =	sadd.s32 $0x2DC780, s17  }
0x1bc: {  	[tilespmem:s31], [sflag:$0x1] =	stream.linear.gather [hbm4b:s17+s2], $0x400, $0x38;
	[tilespmem:$0x14200] =	vst v63  }
0x1bd: {  	v35 =	vmov s16;
	_ =	swait.ge [sflag:s9], $0x10000  }
0x1be: {  	v36 =	vor.u32 s16, v0;
	v35 =	vshll.u32 v35, $0x3;
	[sflag:s9] =	ssyncset.done $0x0  }
0x1bf: {  	v36 =	vand.u32 $0x7F, v36;
	v53 =	vand.u32 $0xC00, v35;
	[sflag:s9] =	ssyncadd.s32 $0xFFFF0000  }
0x1c0: {  	v34 =	vor.u32 v36, v53;
	v37 =	vld.idx.msk [tilespmem:v52+s8+$0x0], $0xffff  }
0x1c1: {  	v38 =	vor.u32 v2, v33;
	_ =	sdelay $0x3  }
0x1c2: {  	[tilespmem:v34+s10+$0x0] =	vst.idx.msk $0xffff, v37  }
0x1c3: {  	v54 =	vor.u32 $0x80, v34;
	v37 =	vld.idx.msk [tilespmem:v38+s8+$0x0], $0xffff  }
0x1c4: {  	v39 =	vor.u32 v3, v33;
	_ =	sdelay $0x3  }
0x1c5: {  	[tilespmem:v54+s10+$0x0] =	vst.idx.msk $0xffff, v37  }
0x1c6: {  	v55 =	vor.u32 $0x100, v34;
	v37 =	vld.idx.msk [tilespmem:v39+s8+$0x0], $0xffff  }
0x1c7: {  	v56 =	vor.u32 v4, v33;
	_ =	sdelay $0x3  }
0x1c8: {  	[tilespmem:v55+s10+$0x0] =	vst.idx.msk $0xffff, v37  }
0x1c9: {  	v57 =	vor.u32 $0x180, v34;
	v37 =	vld.idx.msk [tilespmem:v56+s8+$0x0], $0xffff  }
0x1ca: {  	v58 =	vor.u32 v5, v33;
	_ =	sdelay $0x3  }
0x1cb: {  	[tilespmem:v57+s10+$0x0] =	vst.idx.msk $0xffff, v37  }
0x1cc: {  	v59 =	vor.u32 $0x200, v34;
	v37 =	vld.idx.msk [tilespmem:v58+s8+$0x0], $0xffff  }
0x1cd: {  	v60 =	vor.u32 v6, v33;
	_ =	sdelay $0x3  }
0x1ce: {  	[tilespmem:v59+s10+$0x0] =	vst.idx.msk $0xffff, v37  }
0x1cf: {  	v61 =	vor.u32 $0x280, v34;
	v37 =	vld.idx.msk [tilespmem:v60+s8+$0x0], $0xffff  }
0x1d0: {  	v62 =	vor.u32 v7, v33;
	_ =	sdelay $0x3  }
0x1d1: {  	[tilespmem:v61+s10+$0x0] =	vst.idx.msk $0xffff, v37  }
0x1d2: {  	v63 =	vor.u32 $0x300, v34;
	v37 =	vld.idx.msk [tilespmem:v62+s8+$0x0], $0xffff  }
0x1d3: {  	v42 =	vor.u32 v8, v33;
	_ =	sdelay $0x3  }
0x1d4: {  	v35 =	vor.u32 v35, v36;
	[tilespmem:v63+s10+$0x0] =	vst.idx.msk $0xffff, v37  }
0x1d5: {  	v36 =	vor.u32 $0x380, v35;
	v37 =	vld.idx.msk [tilespmem:v42+s8+$0x0], $0xffff  }
0x1d6: {  	v43 =	vor.u32 v9, v33;
	_ =	sdelay $0x3  }
0x1d7: {  	[tilespmem:v36+s10+$0x0] =	vst.idx.msk $0xffff, v37  }
0x1d8: {  	v44 =	vor.u32 $0x1000, v34;
	v36 =	vld.idx.msk [tilespmem:v43+s8+$0x0], $0xffff  }
0x1d9: {  	v45 =	vor.u32 v10, v33;
	_ =	sdelay $0x3  }
0x1da: {  	[tilespmem:v44+s10+$0x0] =	vst.idx.msk $0xffff, v36  }
0x1db: {  	v46 =	vor.u32 $0x1080, v34;
	v36 =	vld.idx.msk [tilespmem:v45+s8+$0x0], $0xffff  }
0x1dc: {  	v47 =	vor.u32 v11, v33;
	_ =	sdelay $0x3  }
0x1dd: {  	[tilespmem:v46+s10+$0x0] =	vst.idx.msk $0xffff, v36  }
0x1de: {  	v48 =	vor.u32 $0x1100, v34;
	v36 =	vld.idx.msk [tilespmem:v47+s8+$0x0], $0xffff  }
0x1df: {  	v49 =	vor.u32 v12, v33;
	_ =	sdelay $0x3  }
0x1e0: {  	[tilespmem:v48+s10+$0x0] =	vst.idx.msk $0xffff, v36  }
0x1e1: {  	v50 =	vor.u32 $0x1180, v34;
	v36 =	vld.idx.msk [tilespmem:v49+s8+$0x0], $0xffff  }
0x1e2: {  	v51 =	vor.u32 v13, v33;
	_ =	sdelay $0x3  }
0x1e3: {  	[tilespmem:v50+s10+$0x0] =	vst.idx.msk $0xffff, v36  }
0x1e4: {  	v52 =	vor.u32 $0x1200, v34;
	v36 =	vld.idx.msk [tilespmem:v51+s8+$0x0], $0xffff  }
0x1e5: {  	v53 =	vor.u32 v14, v33;
	_ =	sdelay $0x3  }
0x1e6: {  	[tilespmem:v52+s10+$0x0] =	vst.idx.msk $0xffff, v36  }
0x1e7: {  	v54 =	vor.u32 $0x1280, v34;
	v36 =	vld.idx.msk [tilespmem:v53+s8+$0x0], $0xffff  }
0x1e8: {  	v55 =	vor.u32 v15, v33;
	_ =	sdelay $0x3  }
0x1e9: {  	[tilespmem:v54+s10+$0x0] =	vst.idx.msk $0xffff, v36  }
0x1ea: {  	v56 =	vor.u32 $0x1300, v34;
	v36 =	vld.idx.msk [tilespmem:v55+s8+$0x0], $0xffff  }
0x1eb: {  	v57 =	vor.u32 v16, v33;
	_ =	sdelay $0x3  }
0x1ec: {  	[tilespmem:v56+s10+$0x0] =	vst.idx.msk $0xffff, v36  }
0x1ed: {  	v58 =	vor.u32 $0x1380, v35;
	v36 =	vld.idx.msk [tilespmem:v57+s8+$0x0], $0xffff  }
0x1ee: {  	v59 =	vor.u32 v17, v33;
	_ =	sdelay $0x3  }
0x1ef: {  	[tilespmem:v58+s10+$0x0] =	vst.idx.msk $0xffff, v36  }
0x1f0: {  	v60 =	vor.u32 $0x2000, v34;
	v36 =	vld.idx.msk [tilespmem:v59+s8+$0x0], $0xffff  }
0x1f1: {  	v61 =	vor.u32 v18, v33;
	_ =	sdelay $0x3  }
0x1f2: {  	[tilespmem:v60+s10+$0x0] =	vst.idx.msk $0xffff, v36  }
0x1f3: {  	v62 =	vor.u32 $0x2080, v34;
	v36 =	vld.idx.msk [tilespmem:v61+s8+$0x0], $0xffff  }
0x1f4: {  	v63 =	vor.u32 v19, v33;
	_ =	sdelay $0x3  }
0x1f5: {  	[tilespmem:v62+s10+$0x0] =	vst.idx.msk $0xffff, v36  }
0x1f6: {  	v40 =	vor.u32 $0x2100, v34;
	v36 =	vld.idx.msk [tilespmem:v63+s8+$0x0], $0xffff  }
0x1f7: {  	v41 =	vor.u32 v20, v33;
	_ =	sdelay $0x3  }
0x1f8: {  	[tilespmem:v40+s10+$0x0] =	vst.idx.msk $0xffff, v36  }
0x1f9: {  	v42 =	vor.u32 $0x2180, v34;
	v36 =	vld.idx.msk [tilespmem:v41+s8+$0x0], $0xffff  }
0x1fa: {  	v43 =	vor.u32 v21, v33;
	_ =	sdelay $0x3  }
0x1fb: {  	[tilespmem:v42+s10+$0x0] =	vst.idx.msk $0xffff, v36  }
0x1fc: {  	v44 =	vor.u32 $0x2200, v34;
	v36 =	vld.idx.msk [tilespmem:v43+s8+$0x0], $0xffff  }
0x1fd: {  	v45 =	vor.u32 v22, v33;
	_ =	sdelay $0x3  }
0x1fe: {  	[tilespmem:v44+s10+$0x0] =	vst.idx.msk $0xffff, v36  }
0x1ff: {  	v46 =	vor.u32 $0x2280, v34;
	v36 =	vld.idx.msk [tilespmem:v45+s8+$0x0], $0xffff  }
0x200: {  	v47 =	vor.u32 v23, v33;
	_ =	sdelay $0x3  }
0x201: {  	[tilespmem:v46+s10+$0x0] =	vst.idx.msk $0xffff, v36  }
0x202: {  	v48 =	vor.u32 $0x2300, v34;
	v36 =	vld.idx.msk [tilespmem:v47+s8+$0x0], $0xffff  }
0x203: {  	v49 =	vor.u32 v24, v33;
	_ =	sdelay $0x3  }
0x204: {  	[tilespmem:v48+s10+$0x0] =	vst.idx.msk $0xffff, v36  }
0x205: {  	v50 =	vor.u32 $0x2380, v35;
	v36 =	vld.idx.msk [tilespmem:v49+s8+$0x0], $0xffff  }
0x206: {  	v51 =	vor.u32 v25, v33;
	_ =	sdelay $0x3  }
0x207: {  	[tilespmem:v50+s10+$0x0] =	vst.idx.msk $0xffff, v36  }
0x208: {  	v52 =	vor.u32 $0x3000, v34;
	v36 =	vld.idx.msk [tilespmem:v51+s8+$0x0], $0xffff  }
0x209: {  	v53 =	vor.u32 v26, v33;
	_ =	sdelay $0x3  }
0x20a: {  	[tilespmem:v52+s10+$0x0] =	vst.idx.msk $0xffff, v36  }
0x20b: {  	v54 =	vor.u32 $0x3080, v34;
	v36 =	vld.idx.msk [tilespmem:v53+s8+$0x0], $0xffff  }
0x20c: {  	v55 =	vor.u32 v27, v33;
	_ =	sdelay $0x3  }
0x20d: {  	[tilespmem:v54+s10+$0x0] =	vst.idx.msk $0xffff, v36  }
0x20e: {  	v56 =	vor.u32 $0x3100, v34;
	v36 =	vld.idx.msk [tilespmem:v55+s8+$0x0], $0xffff  }
0x20f: {  	v57 =	vor.u32 v28, v33;
	_ =	sdelay $0x3  }
0x210: {  	[tilespmem:v56+s10+$0x0] =	vst.idx.msk $0xffff, v36  }
0x211: {  	v58 =	vor.u32 $0x3180, v34;
	v36 =	vld.idx.msk [tilespmem:v57+s8+$0x0], $0xffff  }
0x212: {  	v59 =	vor.u32 v29, v33;
	_ =	sdelay $0x3  }
0x213: {  	[tilespmem:v58+s10+$0x0] =	vst.idx.msk $0xffff, v36  }
0x214: {  	v60 =	vor.u32 $0x3200, v34;
	v36 =	vld.idx.msk [tilespmem:v59+s8+$0x0], $0xffff  }
0x215: {  	v61 =	vor.u32 v30, v33;
	_ =	sdelay $0x3  }
0x216: {  	[tilespmem:v60+s10+$0x0] =	vst.idx.msk $0xffff, v36  }
0x217: {  	v62 =	vor.u32 $0x3280, v34;
	v36 =	vld.idx.msk [tilespmem:v61+s8+$0x0], $0xffff  }
0x218: {  	v63 =	vor.u32 v31, v33;
	_ =	sdelay $0x3  }
0x219: {  	[tilespmem:v62+s10+$0x0] =	vst.idx.msk $0xffff, v36  }
0x21a: {  	v34 =	vor.u32 $0x3300, v34;
	v36 =	vld.idx.msk [tilespmem:v63+s8+$0x0], $0xffff  }
0x21b: {  	p0 =	sne.s32 s14, $0x1F0;
	v33 =	vor.u32 v32, v33  }
.Ltmp0:
0x21c: {  	_ = 	snop;
	(pc) =	sbr.rel @p0 .LBB2_2-.Ltmp0, $3  }
0x21d: {  	_ =	sdelay $0x1  }
0x21e: {  	[tilespmem:v34+s10+$0x0] =	vst.idx.msk $0xffff, v36  }
0x21f: {  	s14 =	sadd.s32 $0x10, s14;
	v34 =	vor.u32 $0x3380, v35;
	v33 =	vld.idx.msk [tilespmem:v33+s8+$0x0], $0xffff  }
0x220: {  	_ =	sdelay $0x1  }
0x221: {  	s13 =	sadd.s32 $0x1, s13  }
0x222: {  	p0 =	sne.s32 s13, s6  }
.Ltmp1:
0x223: {  	[tilespmem:v34+s10+$0x0] =	vst.idx.msk $0xffff, v33;
	(pc) =	sbr.rel @p0 .LBB2_1-.Ltmp1, $4  }
0x224: {  	[hbm4b:s5+s11] =	stream.strided.scatter [tilespmem:s10], [sflag:$0x2], $0x4000, s12, s11, $0x38;
	[tilespmem:$0x14200] =	vst v63  }
0x225: {  	_ =	swait.ge [sflag:s7], $0x4000  }
0x226: {  	[sflag:s7] =	ssyncset.done $0x0  }
0x227: {  	[sflag:s7] =	ssyncadd.s32 $0xFFFFC000  }
0x228: {  	_ =	sfence.sel $0x180000  }
0x229: {  	[bflag:$0x0] =	sbarrier.arrive $0xFFFF  }
0x22a: {  	p0 =	sne.s32 s3, $0x0;
	_ =	strace $0x90000047  }
0x22b: {  	s0 =	sadd.s32 @!p0 $0x100000, s0;
	[bflag:$0x2] =	sbarrier.arrive $0xFFFF  }
0x22c: {  	[sflag:s0] =	ssyncadd.tile.s32 @!p0 $0x1;
	_ =	shalt  }
.Lfunc_end2:
_tile_overlayer_lowered:
.L_overlay_start_2:
0x22d: {  	(tag) =	ssettag $0x2  }
0x22e: {  	s0 =	rddreg [dreg:$0x0];
	s2 =	stileid.u32  }
0x22f: {  	s1 =	rddreg [dreg:$0x1];
	p0 =	sne.s32 s2, $0x0  }
0x230: {  	s3 =	rddreg [dreg:$0x2];
	[bflag:$0x3] =	sbarrier.arrive $0xFFFF;
	s2 =	simm.s32 @!p0 $0x1C02  }
0x231: {  	[timem:s3], [sflag:s2] =	dma.local @!p0 [hbm:s0], s1  }
0x232: {  	s0 =	simm.s32 @!p0 $0x2  }
0x233: {  	_ =	swait.ge @!p0 [sflag:s0], s1  }
0x234: {  	s1 =	ssub.s32 @!p0 $0x0, s1;
	[sflag:s0] =	ssyncset.done @!p0 $0x0  }
0x235: {  	[sflag:s0] =	ssyncadd.s32 @!p0 s1  }
0x236: {  	[bflag:$0x3] =	sbarrier.arrive $0xFFFF  }
0x237: {  	_ =	shalt  }

</sc_bundles>
